<compile_context>
chip_gen: v7x
topology: tpu7x:2x2x1
jax: 0.10.2.dev20260603
libtpu: 0.0.44.dev20260713+nightly
codegen_flags: <defaults>
</compile_context>

<pallas_src>
import functools

import jax
import jax.numpy as jnp
from jax import lax
from jax.experimental import pallas as pl
from jax.experimental.pallas import tpu as pltpu
from jax.experimental.pallas import tpu_sc as plsc

_N = 320000
_D = 128
_S = 10000
_BETA = 0.8
_W = 128
_B = 3200
_NB = _N // _B
_SEG_PAD = 10240

_NW = 32
_RPW = _N // _NW
_SPW = _SEG_PAD // _NW
_L = 16


def _sc_partial_body(ids_hbm, ts_hbm, out_hbm, ids_v, ts_v, acc_v):
    c = lax.axis_index("c")
    s = lax.axis_index("s")
    w = s * 2 + c
    base = w * _RPW

    pltpu.sync_copy(ids_hbm.at[pl.ds(base, _RPW)], ids_v)
    pltpu.sync_copy(ts_hbm.at[pl.ds(base, _RPW)], ts_v)

    zeros16 = jnp.zeros((_L,), jnp.float32)

    def zbody(i, carry):
        acc_v[pl.ds(i * _L, _L)] = zeros16
        return carry

    lax.fori_loop(0, _SEG_PAD // _L, zbody, 0)

    lane = lax.broadcasted_iota(jnp.int32, (_L,), 0)

    def gbody(g, carry):
        ids16 = ids_v[pl.ds(g * _L, _L)]
        t16 = ts_v[pl.ds(g * _L, _L)]
        for d in (1, 2, 4, 8):
            fidx = jnp.minimum(lane + d, _L - 1)
            bidx = jnp.maximum(lane - d, 0)
            tf = t16.at[fidx].get(mode="promise_in_bounds")
            idf = ids16.at[fidx].get(mode="promise_in_bounds")
            tb = t16.at[bidx].get(mode="promise_in_bounds")
            idb = ids16.at[bidx].get(mode="promise_in_bounds")
            t16 = jnp.maximum(t16, jnp.where(idf == ids16, tf, 0.0))
            t16 = jnp.maximum(t16, jnp.where(idb == ids16, tb, 0.0))
        cur = plsc.load_gather(acc_v, [ids16])
        plsc.store_scatter(acc_v, [ids16], jnp.maximum(cur, t16))
        return carry

    lax.fori_loop(0, _RPW // _L, gbody, 0)

    pltpu.sync_copy(acc_v, out_hbm.at[pl.ds(w * _SEG_PAD, _SEG_PAD)])


_sc_partial = functools.partial(
    pl.kernel,
    out_type=jax.ShapeDtypeStruct((_NW * _SEG_PAD,), jnp.float32),
    mesh=plsc.VectorSubcoreMesh(core_axis_name="c", subcore_axis_name="s"),
    compiler_params=pltpu.CompilerParams(needs_layout_passes=False),
    scratch_types=[
        pltpu.VMEM((_RPW,), jnp.int32),
        pltpu.VMEM((_RPW,), jnp.float32),
        pltpu.VMEM((_SEG_PAD,), jnp.float32),
    ],
)(_sc_partial_body)


def _sc_fold_body(parts_hbm, out_hbm, buf_v, acc_v, sem):
    c = lax.axis_index("c")
    s = lax.axis_index("s")
    w = s * 2 + c
    base = w * _SPW

    descs = [
        pltpu.async_copy(
            parts_hbm.at[pl.ds(r * _SEG_PAD + base, _SPW)],
            buf_v.at[pl.ds(r * _SPW, _SPW)], sem)
        for r in range(_NW)
    ]
    for d in descs:
        d.wait()

    def fbody(i, carry):
        v = buf_v[pl.ds(i * _L, _L)]
        for r in range(1, _NW):
            v = jnp.maximum(v, buf_v[pl.ds(r * _SPW + i * _L, _L)])
        acc_v[pl.ds(i * _L, _L)] = v
        return carry

    lax.fori_loop(0, _SPW // _L, fbody, 0)

    pltpu.sync_copy(acc_v, out_hbm.at[pl.ds(base, _SPW)])


_sc_fold = functools.partial(
    pl.kernel,
    out_type=jax.ShapeDtypeStruct((_SEG_PAD,), jnp.float32),
    mesh=plsc.VectorSubcoreMesh(core_axis_name="c", subcore_axis_name="s"),
    compiler_params=pltpu.CompilerParams(needs_layout_passes=False),
    scratch_types=[
        pltpu.VMEM((_NW * _SPW,), jnp.float32),
        pltpu.VMEM((_SPW,), jnp.float32),
        pltpu.SemaphoreType.DMA,
    ],
)(_sc_fold_body)


def _tc_body(ids_ref, ts_ref, msg_ref, smax_ref, agg_ref, wsum_ref):
    j = pl.program_id(0)

    id_row = ids_ref[0]
    t_row = ts_ref[0]

    base0 = jnp.minimum((jnp.min(id_row) // 8) * 8, _SEG_PAD - _W)
    nw = (jnp.max(id_row) - base0) // _W + 1

    seg_iota = lax.broadcasted_iota(jnp.int32, (_W, 1), 0)

    @pl.when(j == 0)
    def _init():
        wsum_ref[...] = jnp.zeros_like(wsum_ref)
        agg_ref[...] = jnp.zeros_like(agg_ref)

    msg = msg_ref[...]
    ones_col = jnp.ones((_B, 1), jnp.float32)

    def body(w, carry):
        start = base0 + w * _W
        base = jnp.minimum(start, _SEG_PAD - _W)
        rel = jnp.where(id_row >= start, id_row - base, -1)
        eq = rel == seg_iota
        onehot = jnp.where(eq, 1.0, 0.0)
        smax_win = smax_ref[pl.ds(base, _W), :]
        last_t = jnp.sum(onehot * smax_win, axis=0, keepdims=True)
        arg = jnp.minimum(_BETA * (t_row - last_t), 0.0)
        w_row = jnp.exp(arg)
        wo = onehot * w_row
        wsum_ref[pl.ds(base, _W), :] += jnp.dot(
            wo, ones_col, preferred_element_type=jnp.float32)
        agg_ref[pl.ds(base, _W), :] += jnp.dot(
            wo, msg, preferred_element_type=jnp.float32)
        return carry

    lax.fori_loop(0, nw, body, 0)

    @pl.when(j == _NB - 1)
    def _finish():
        wsum = wsum_ref[...]
        inv = jnp.where(wsum > 0.0, 1.0 / wsum, 0.0)
        agg_ref[...] = agg_ref[...] * inv


@functools.partial(jax.jit, static_argnames=("interpret",))
def _run(node_ids, messages, timestamps, interpret=False):
    ids = node_ids.astype(jnp.int32)
    parts = _sc_partial(ids, timestamps)
    seg_max_col = _sc_fold(parts).reshape(_SEG_PAD, 1)

    ids3 = ids.reshape(_NB, 1, _B)
    ts3 = timestamps.reshape(_NB, 1, _B)

    out = pl.pallas_call(
        _tc_body,
        grid=(_NB,),
        in_specs=[
            pl.BlockSpec((1, 1, _B), lambda j: (j, 0, 0)),
            pl.BlockSpec((1, 1, _B), lambda j: (j, 0, 0)),
            pl.BlockSpec((_B, _D), lambda j: (j, 0)),
            pl.BlockSpec((_SEG_PAD, 1), lambda j: (0, 0)),
        ],
        out_specs=[
            pl.BlockSpec((_SEG_PAD, _D), lambda j: (0, 0)),
            pl.BlockSpec((_SEG_PAD, 1), lambda j: (0, 0)),
        ],
        out_shape=[
            jax.ShapeDtypeStruct((_SEG_PAD, _D), jnp.float32),
            jax.ShapeDtypeStruct((_SEG_PAD, 1), jnp.float32),
        ],
        interpret=interpret,
    )(ids3, ts3, messages, seg_max_col)

    agg, wsum = out
    return (agg[:_S], seg_max_col[:_S, 0], wsum[:_S, 0] > 0.0)


def kernel(node_ids, messages, timestamps):
    return _run(node_ids, messages, timestamps)

# --- scband reference (transcript-rebuilt; emitter-appended) ---
"""Pipeline reference for scband-temporal-weighted-mean-aggregator-23510650978750 (READ-ONLY COPY).

The authoritative reference and input builder live on the scoring server;
editing this copy changes nothing except your own understanding.
"""

import jax, jax.numpy as jnp
import numpy as np

N = 320000
D = 128
NUM_NODES = 10000
BETA = 0.8


def setup_inputs(seed: int = 0) -> dict:
    key = jax.random.key(seed)
    k1, k2, k3 = jax.random.split(key, 3)
    node_ids = jnp.sort(jax.random.randint(k1, (N,), 0, NUM_NODES))
    messages = jax.random.normal(k2, (N, D), dtype=jnp.float32)
    timestamps = jax.random.uniform(k3, (N,), dtype=jnp.float32) * 1000.0
    return {"node_ids": node_ids, "messages": messages, "timestamps": timestamps}


def reference(node_ids, messages, timestamps):
    # counts per node id (to detect which unique node ids have messages)
    counts = jax.ops.segment_sum(jnp.ones((N,), dtype=jnp.float32), node_ids,
                                 num_segments=NUM_NODES)
    present = counts > 0
    # last (max) timestamp per node id
    seg_max = jax.ops.segment_max(timestamps, node_ids, num_segments=NUM_NODES)
    seg_max = jnp.where(present, seg_max, 0.0)
    last_t = seg_max[node_ids]
    # temporal decay weights: exp(beta * (t - last_t)), last_t is per-segment max
    weights = jnp.exp(BETA * (timestamps - last_t))
    weighted_sum = jax.ops.segment_sum(messages * weights[:, None], node_ids,
                                       num_segments=NUM_NODES)
    total_weight = jax.ops.segment_sum(weights, node_ids, num_segments=NUM_NODES)
    # fallback to plain mean where total weight underflows to zero
    mean_msg = jax.ops.segment_sum(messages, node_ids, num_segments=NUM_NODES)
    mean_msg = mean_msg / jnp.maximum(counts, 1.0)[:, None]
    safe_tot = jnp.where(total_weight == 0, 1.0, total_weight)
    agg = jnp.where((total_weight == 0)[:, None], mean_msg,
                    weighted_sum / safe_tot[:, None])
    agg = jnp.where(present[:, None], agg, 0.0)
    return (agg, seg_max, present)

if __name__ == "__main__":
    import jax
    _d = setup_inputs()
    print(jax.jit(kernel)(*tuple(_d.values())))

</pallas_src>

<mosaic_0001>
#map = affine_map<(d0, d1) -> (0)>
module attributes {stable_mosaic.version = 14 : i64} {
  func.func @_sc_partial_body(%arg0: i32, %arg1: i32, %arg2: memref<320000xi32, #tpu.memory_space<hbm>>, %arg3: memref<320000xf32, #tpu.memory_space<hbm>>, %arg4: memref<327680xf32, #tpu.memory_space<hbm>>, %arg5: memref<10000xi32, #tpu.memory_space<vmem>>, %arg6: memref<10000xf32, #tpu.memory_space<vmem>>, %arg7: memref<10240xf32, #tpu.memory_space<vmem>>) attributes {dimension_semantics = [#tpu.dimension_semantics<core_parallel>, #tpu.dimension_semantics<subcore_parallel>], iteration_bounds = array<i64: 2, 16>, scalar_prefetch = 0 : i64, scratch_operands = 3 : i64, tpu.core_type = #tpu.core_type<sc_vector_subcore>, window_params = [{transform_indices = #map}, {transform_indices = #map}, {transform_indices = #map}]} {
    %mul3A = arith.constant 2 : i32
    %mul3A_0 = arith.muli %arg1, %mul3A : i32
    %add3A = arith.addi %mul3A_0, %arg0 : i32
    %mul3A_1 = arith.constant 10000 : i32
    %mul3A_2 = arith.muli %add3A, %mul3A_1 : i32
    "tpu.region"() ({
      %run_scoped3A = tpu.sem_alloc : memref<!tpu.dma_semaphore, #tpu.memory_space<semaphore_mem>>
      %dma_start3A = tpu.memref_slice %arg2[%mul3A_2] : memref<320000xi32, #tpu.memory_space<hbm>> -> memref<10000xi32, #tpu.memory_space<hbm>>
      %dma_start3A_17 = tpu.memref_slice %arg2[%mul3A_2] : memref<320000xi32, #tpu.memory_space<hbm>> -> memref<10000xi32, #tpu.memory_space<hbm>>
      tpu.enqueue_dma source(%dma_start3A_17 : memref<10000xi32, #tpu.memory_space<hbm>>) target(%arg5 : memref<10000xi32, #tpu.memory_space<vmem>>) target_semaphore(%run_scoped3A : memref<!tpu.dma_semaphore, #tpu.memory_space<semaphore_mem>>)
      %dma_wait3A = tpu.memref_slice %arg2[%mul3A_2] : memref<320000xi32, #tpu.memory_space<hbm>> -> memref<10000xi32, #tpu.memory_space<hbm>>
      %dma_wait3A_18 = tpu.memref_slice %arg2[%mul3A_2] : memref<320000xi32, #tpu.memory_space<hbm>> -> memref<10000xi32, #tpu.memory_space<hbm>>
      tpu.wait_dma2 semaphore(%run_scoped3A : memref<!tpu.dma_semaphore, #tpu.memory_space<semaphore_mem>>) src(%dma_wait3A_18 : memref<10000xi32, #tpu.memory_space<hbm>>) dst(%arg5 : memref<10000xi32, #tpu.memory_space<vmem>>)
      tpu.yield
    }) : () -> ()
    "tpu.region"() ({
      %run_scoped3A = tpu.sem_alloc : memref<!tpu.dma_semaphore, #tpu.memory_space<semaphore_mem>>
      %dma_start3A = tpu.memref_slice %arg3[%mul3A_2] : memref<320000xf32, #tpu.memory_space<hbm>> -> memref<10000xf32, #tpu.memory_space<hbm>>
      %dma_start3A_17 = tpu.memref_slice %arg3[%mul3A_2] : memref<320000xf32, #tpu.memory_space<hbm>> -> memref<10000xf32, #tpu.memory_space<hbm>>
      tpu.enqueue_dma source(%dma_start3A_17 : memref<10000xf32, #tpu.memory_space<hbm>>) target(%arg6 : memref<10000xf32, #tpu.memory_space<vmem>>) target_semaphore(%run_scoped3A : memref<!tpu.dma_semaphore, #tpu.memory_space<semaphore_mem>>)
      %dma_wait3A = tpu.memref_slice %arg3[%mul3A_2] : memref<320000xf32, #tpu.memory_space<hbm>> -> memref<10000xf32, #tpu.memory_space<hbm>>
      %dma_wait3A_18 = tpu.memref_slice %arg3[%mul3A_2] : memref<320000xf32, #tpu.memory_space<hbm>> -> memref<10000xf32, #tpu.memory_space<hbm>>
      tpu.wait_dma2 semaphore(%run_scoped3A : memref<!tpu.dma_semaphore, #tpu.memory_space<semaphore_mem>>) src(%dma_wait3A_18 : memref<10000xf32, #tpu.memory_space<hbm>>) dst(%arg6 : memref<10000xf32, #tpu.memory_space<vmem>>)
      tpu.yield
    }) : () -> ()
    %broadcast_in_dim3A = arith.constant 0.000000e+00 : f32
    %broadcast_in_dim3A_3 = vector.broadcast %broadcast_in_dim3A : f32 to vector<16xf32>
    %scan3A = arith.constant 0 : i32
    %scan3A_4 = arith.constant 0 : i32
    %scan3A_5 = arith.constant 640 : i32
    %scan3A_6 = arith.addi %scan3A_4, %scan3A_5 : i32
    %scan3A_7 = arith.constant 1 : i32
    scf.for %scan3A_17 = %scan3A_4 to %scan3A_6 step %scan3A_7  : i32 {
      %mul3A_18 = arith.constant 16 : i32
      %mul3A_19 = arith.muli %scan3A_17, %mul3A_18 : i32
      %swap3A = arith.index_cast %mul3A_19 : i32 to index
      %swap3A_20 = tpu.vector_load %arg7[%swap3A] {strides = array<i32>} : memref<10240xf32, #tpu.memory_space<vmem>>, vector<16xf32>,
      tpu.vector_store %arg7[%swap3A], %broadcast_in_dim3A_3 {strides = array<i32>} : memref<10240xf32, #tpu.memory_space<vmem>>, vector<16xf32>,
    }
    %scan3A_8 = arith.constant 640 : i32
    %iota3A = tpu.iota {dimensions = array<i32: 0>} : vector<16xi32>
    %scan3A_9 = arith.constant 0 : i32
    %scan3A_10 = arith.constant 0 : i32
    %scan3A_11 = arith.constant 625 : i32
    %scan3A_12 = arith.addi %scan3A_10, %scan3A_11 : i32
    %scan3A_13 = arith.constant 1 : i32
    scf.for %scan3A_17 = %scan3A_10 to %scan3A_12 step %scan3A_13  : i32 {
      %mul3A_18 = arith.constant 16 : i32
      %mul3A_19 = arith.muli %scan3A_17, %mul3A_18 : i32
      %get3A = arith.index_cast %mul3A_19 : i32 to index
      %get3A_20 = tpu.vector_load %arg5[%get3A] {strides = array<i32>} : memref<10000xi32, #tpu.memory_space<vmem>>, vector<16xi32>,
      %mul3A_21 = arith.constant 16 : i32
      %mul3A_22 = arith.muli %scan3A_17, %mul3A_21 : i32
      %get3A_23 = arith.index_cast %mul3A_22 : i32 to index
      %get3A_24 = tpu.vector_load %arg6[%get3A_23] {strides = array<i32>} : memref<10000xf32, #tpu.memory_space<vmem>>, vector<16xf32>,
      %add3A_25 = arith.constant 1 : i32
      %add3A_26 = vector.broadcast %add3A_25 : i32 to vector<16xi32>
      %add3A_27 = arith.addi %iota3A, %add3A_26 : vector<16xi32>
      %min3A = arith.constant 15 : i32
      %min3A_28 = vector.broadcast %min3A : i32 to vector<16xi32>
      %min3A_29 = arith.minsi %add3A_27, %min3A_28 : vector<16xi32>
      %sub3A = arith.constant 1 : i32
      %sub3A_30 = vector.broadcast %sub3A : i32 to vector<16xi32>
      %sub3A_31 = arith.subi %iota3A, %sub3A_30 : vector<16xi32>
      %max3A = arith.constant 0 : i32
      %max3A_32 = vector.broadcast %max3A : i32 to vector<16xi32>
      %max3A_33 = arith.maxsi %sub3A_31, %max3A_32 : vector<16xi32>
      %lt3A = arith.constant 0 : i32
      %lt3A_34 = vector.broadcast %lt3A : i32 to vector<16xi32>
      %lt3A_35 = arith.cmpi slt, %min3A_29, %lt3A_34 : vector<16xi32>
      %add3A_36 = arith.constant 16 : i32
      %add3A_37 = vector.broadcast %add3A_36 : i32 to vector<16xi32>
      %add3A_38 = arith.addi %min3A_29, %add3A_37 : vector<16xi32>
      %select_n3A = arith.select %lt3A_35, %add3A_38, %min3A_29 : vector<16xi1>, vector<16xi32>
      %broadcast_in_dim3A_39 = vector.shape_cast %select_n3A : vector<16xi32> to vector<16x1xi32>
      %gather3A = vector.shape_cast %broadcast_in_dim3A_39 : vector<16x1xi32> to vector<16xi32>
      %gather3A_40 = tpu.dynamic_gather %get3A_24[%gather3A] in [0] : vector<16xf32>, vector<16xi32> -> vector<16xf32>
      %lt3A_41 = arith.constant 0 : i32
      %lt3A_42 = vector.broadcast %lt3A_41 : i32 to vector<16xi32>
      %lt3A_43 = arith.cmpi slt, %min3A_29, %lt3A_42 : vector<16xi32>
      %add3A_44 = arith.constant 16 : i32
      %add3A_45 = vector.broadcast %add3A_44 : i32 to vector<16xi32>
      %add3A_46 = arith.addi %min3A_29, %add3A_45 : vector<16xi32>
      %select_n3A_47 = arith.select %lt3A_43, %add3A_46, %min3A_29 : vector<16xi1>, vector<16xi32>
      %broadcast_in_dim3A_48 = vector.shape_cast %select_n3A_47 : vector<16xi32> to vector<16x1xi32>
      %gather3A_49 = vector.shape_cast %broadcast_in_dim3A_48 : vector<16x1xi32> to vector<16xi32>
      %gather3A_50 = tpu.dynamic_gather %get3A_20[%gather3A_49] in [0] : vector<16xi32>, vector<16xi32> -> vector<16xi32>
      %lt3A_51 = arith.constant 0 : i32
      %lt3A_52 = vector.broadcast %lt3A_51 : i32 to vector<16xi32>
      %lt3A_53 = arith.cmpi slt, %max3A_33, %lt3A_52 : vector<16xi32>
      %add3A_54 = arith.constant 16 : i32
      %add3A_55 = vector.broadcast %add3A_54 : i32 to vector<16xi32>
      %add3A_56 = arith.addi %max3A_33, %add3A_55 : vector<16xi32>
      %select_n3A_57 = arith.select %lt3A_53, %add3A_56, %max3A_33 : vector<16xi1>, vector<16xi32>
      %broadcast_in_dim3A_58 = vector.shape_cast %select_n3A_57 : vector<16xi32> to vector<16x1xi32>
      %gather3A_59 = vector.shape_cast %broadcast_in_dim3A_58 : vector<16x1xi32> to vector<16xi32>
      %gather3A_60 = tpu.dynamic_gather %get3A_24[%gather3A_59] in [0] : vector<16xf32>, vector<16xi32> -> vector<16xf32>
      %lt3A_61 = arith.constant 0 : i32
      %lt3A_62 = vector.broadcast %lt3A_61 : i32 to vector<16xi32>
      %lt3A_63 = arith.cmpi slt, %max3A_33, %lt3A_62 : vector<16xi32>
      %add3A_64 = arith.constant 16 : i32
      %add3A_65 = vector.broadcast %add3A_64 : i32 to vector<16xi32>
      %add3A_66 = arith.addi %max3A_33, %add3A_65 : vector<16xi32>
      %select_n3A_67 = arith.select %lt3A_63, %add3A_66, %max3A_33 : vector<16xi1>, vector<16xi32>
      %broadcast_in_dim3A_68 = vector.shape_cast %select_n3A_67 : vector<16xi32> to vector<16x1xi32>
      %gather3A_69 = vector.shape_cast %broadcast_in_dim3A_68 : vector<16x1xi32> to vector<16xi32>
      %gather3A_70 = tpu.dynamic_gather %get3A_20[%gather3A_69] in [0] : vector<16xi32>, vector<16xi32> -> vector<16xi32>
      %eq3A = arith.cmpi eq, %gather3A_50, %get3A_20 : vector<16xi32>
      %jit3A = arith.constant 0.000000e+00 : f32
      %broadcast_in_dim3A_71 = vector.broadcast %jit3A : f32 to vector<16xf32>
      %select_n3A_72 = arith.select %eq3A, %gather3A_40, %broadcast_in_dim3A_71 : vector<16xi1>, vector<16xf32>
      %max3A_73 = arith.maximumf %get3A_24, %select_n3A_72 : vector<16xf32>
      %eq3A_74 = arith.cmpi eq, %gather3A_70, %get3A_20 : vector<16xi32>
      %jit3A_75 = arith.constant 0.000000e+00 : f32
      %broadcast_in_dim3A_76 = vector.broadcast %jit3A_75 : f32 to vector<16xf32>
      %select_n3A_77 = arith.select %eq3A_74, %gather3A_60, %broadcast_in_dim3A_76 : vector<16xi1>, vector<16xf32>
      %max3A_78 = arith.maximumf %max3A_73, %select_n3A_77 : vector<16xf32>
      %add3A_79 = arith.constant 2 : i32
      %add3A_80 = vector.broadcast %add3A_79 : i32 to vector<16xi32>
      %add3A_81 = arith.addi %iota3A, %add3A_80 : vector<16xi32>
      %min3A_82 = arith.constant 15 : i32
      %min3A_83 = vector.broadcast %min3A_82 : i32 to vector<16xi32>
      %min3A_84 = arith.minsi %add3A_81, %min3A_83 : vector<16xi32>
      %sub3A_85 = arith.constant 2 : i32
      %sub3A_86 = vector.broadcast %sub3A_85 : i32 to vector<16xi32>
      %sub3A_87 = arith.subi %iota3A, %sub3A_86 : vector<16xi32>
      %max3A_88 = arith.constant 0 : i32
      %max3A_89 = vector.broadcast %max3A_88 : i32 to vector<16xi32>
      %max3A_90 = arith.maxsi %sub3A_87, %max3A_89 : vector<16xi32>
      %lt3A_91 = arith.constant 0 : i32
      %lt3A_92 = vector.broadcast %lt3A_91 : i32 to vector<16xi32>
      %lt3A_93 = arith.cmpi slt, %min3A_84, %lt3A_92 : vector<16xi32>
      %add3A_94 = arith.constant 16 : i32
      %add3A_95 = vector.broadcast %add3A_94 : i32 to vector<16xi32>
      %add3A_96 = arith.addi %min3A_84, %add3A_95 : vector<16xi32>
      %select_n3A_97 = arith.select %lt3A_93, %add3A_96, %min3A_84 : vector<16xi1>, vector<16xi32>
      %broadcast_in_dim3A_98 = vector.shape_cast %select_n3A_97 : vector<16xi32> to vector<16x1xi32>
      %gather3A_99 = vector.shape_cast %broadcast_in_dim3A_98 : vector<16x1xi32> to vector<16xi32>
      %gather3A_100 = tpu.dynamic_gather %max3A_78[%gather3A_99] in [0] : vector<16xf32>, vector<16xi32> -> vector<16xf32>
      %lt3A_101 = arith.constant 0 : i32
      %lt3A_102 = vector.broadcast %lt3A_101 : i32 to vector<16xi32>
      %lt3A_103 = arith.cmpi slt, %min3A_84, %lt3A_102 : vector<16xi32>
      %add3A_104 = arith.constant 16 : i32
      %add3A_105 = vector.broadcast %add3A_104 : i32 to vector<16xi32>
      %add3A_106 = arith.addi %min3A_84, %add3A_105 : vector<16xi32>
      %select_n3A_107 = arith.select %lt3A_103, %add3A_106, %min3A_84 : vector<16xi1>, vector<16xi32>
      %broadcast_in_dim3A_108 = vector.shape_cast %select_n3A_107 : vector<16xi32> to vector<16x1xi32>
      %gather3A_109 = vector.shape_cast %broadcast_in_dim3A_108 : vector<16x1xi32> to vector<16xi32>
      %gather3A_110 = tpu.dynamic_gather %get3A_20[%gather3A_109] in [0] : vector<16xi32>, vector<16xi32> -> vector<16xi32>
      %lt3A_111 = arith.constant 0 : i32
      %lt3A_112 = vector.broadcast %lt3A_111 : i32 to vector<16xi32>
      %lt3A_113 = arith.cmpi slt, %max3A_90, %lt3A_112 : vector<16xi32>
      %add3A_114 = arith.constant 16 : i32
      %add3A_115 = vector.broadcast %add3A_114 : i32 to vector<16xi32>
      %add3A_116 = arith.addi %max3A_90, %add3A_115 : vector<16xi32>
      %select_n3A_117 = arith.select %lt3A_113, %add3A_116, %max3A_90 : vector<16xi1>, vector<16xi32>
      %broadcast_in_dim3A_118 = vector.shape_cast %select_n3A_117 : vector<16xi32> to vector<16x1xi32>
      %gather3A_119 = vector.shape_cast %broadcast_in_dim3A_118 : vector<16x1xi32> to vector<16xi32>
      %gather3A_120 = tpu.dynamic_gather %max3A_78[%gather3A_119] in [0] : vector<16xf32>, vector<16xi32> -> vector<16xf32>
      %lt3A_121 = arith.constant 0 : i32
      %lt3A_122 = vector.broadcast %lt3A_121 : i32 to vector<16xi32>
      %lt3A_123 = arith.cmpi slt, %max3A_90, %lt3A_122 : vector<16xi32>
      %add3A_124 = arith.constant 16 : i32
      %add3A_125 = vector.broadcast %add3A_124 : i32 to vector<16xi32>
      %add3A_126 = arith.addi %max3A_90, %add3A_125 : vector<16xi32>
      %select_n3A_127 = arith.select %lt3A_123, %add3A_126, %max3A_90 : vector<16xi1>, vector<16xi32>
      %broadcast_in_dim3A_128 = vector.shape_cast %select_n3A_127 : vector<16xi32> to vector<16x1xi32>
      %gather3A_129 = vector.shape_cast %broadcast_in_dim3A_128 : vector<16x1xi32> to vector<16xi32>
      %gather3A_130 = tpu.dynamic_gather %get3A_20[%gather3A_129] in [0] : vector<16xi32>, vector<16xi32> -> vector<16xi32>
      %eq3A_131 = arith.cmpi eq, %gather3A_110, %get3A_20 : vector<16xi32>
      %jit3A_132 = arith.constant 0.000000e+00 : f32
      %broadcast_in_dim3A_133 = vector.broadcast %jit3A_132 : f32 to vector<16xf32>
      %select_n3A_134 = arith.select %eq3A_131, %gather3A_100, %broadcast_in_dim3A_133 : vector<16xi1>, vector<16xf32>
      %max3A_135 = arith.maximumf %max3A_78, %select_n3A_134 : vector<16xf32>
      %eq3A_136 = arith.cmpi eq, %gather3A_130, %get3A_20 : vector<16xi32>
      %jit3A_137 = arith.constant 0.000000e+00 : f32
      %broadcast_in_dim3A_138 = vector.broadcast %jit3A_137 : f32 to vector<16xf32>
      %select_n3A_139 = arith.select %eq3A_136, %gather3A_120, %broadcast_in_dim3A_138 : vector<16xi1>, vector<16xf32>
      %max3A_140 = arith.maximumf %max3A_135, %select_n3A_139 : vector<16xf32>
      %add3A_141 = arith.constant 4 : i32
      %add3A_142 = vector.broadcast %add3A_141 : i32 to vector<16xi32>
      %add3A_143 = arith.addi %iota3A, %add3A_142 : vector<16xi32>
      %min3A_144 = arith.constant 15 : i32
      %min3A_145 = vector.broadcast %min3A_144 : i32 to vector<16xi32>
      %min3A_146 = arith.minsi %add3A_143, %min3A_145 : vector<16xi32>
      %sub3A_147 = arith.constant 4 : i32
      %sub3A_148 = vector.broadcast %sub3A_147 : i32 to vector<16xi32>
      %sub3A_149 = arith.subi %iota3A, %sub3A_148 : vector<16xi32>
      %max3A_150 = arith.constant 0 : i32
      %max3A_151 = vector.broadcast %max3A_150 : i32 to vector<16xi32>
      %max3A_152 = arith.maxsi %sub3A_149, %max3A_151 : vector<16xi32>
      %lt3A_153 = arith.constant 0 : i32
      %lt3A_154 = vector.broadcast %lt3A_153 : i32 to vector<16xi32>
      %lt3A_155 = arith.cmpi slt, %min3A_146, %lt3A_154 : vector<16xi32>
      %add3A_156 = arith.constant 16 : i32
      %add3A_157 = vector.broadcast %add3A_156 : i32 to vector<16xi32>
      %add3A_158 = arith.addi %min3A_146, %add3A_157 : vector<16xi32>
      %select_n3A_159 = arith.select %lt3A_155, %add3A_158, %min3A_146 : vector<16xi1>, vector<16xi32>
      %broadcast_in_dim3A_160 = vector.shape_cast %select_n3A_159 : vector<16xi32> to vector<16x1xi32>
      %gather3A_161 = vector.shape_cast %broadcast_in_dim3A_160 : vector<16x1xi32> to vector<16xi32>
      %gather3A_162 = tpu.dynamic_gather %max3A_140[%gather3A_161] in [0] : vector<16xf32>, vector<16xi32> -> vector<16xf32>
      %lt3A_163 = arith.constant 0 : i32
      %lt3A_164 = vector.broadcast %lt3A_163 : i32 to vector<16xi32>
      %lt3A_165 = arith.cmpi slt, %min3A_146, %lt3A_164 : vector<16xi32>
      %add3A_166 = arith.constant 16 : i32
      %add3A_167 = vector.broadcast %add3A_166 : i32 to vector<16xi32>
      %add3A_168 = arith.addi %min3A_146, %add3A_167 : vector<16xi32>
      %select_n3A_169 = arith.select %lt3A_165, %add3A_168, %min3A_146 : vector<16xi1>, vector<16xi32>
      %broadcast_in_dim3A_170 = vector.shape_cast %select_n3A_169 : vector<16xi32> to vector<16x1xi32>
      %gather3A_171 = vector.shape_cast %broadcast_in_dim3A_170 : vector<16x1xi32> to vector<16xi32>
      %gather3A_172 = tpu.dynamic_gather %get3A_20[%gather3A_171] in [0] : vector<16xi32>, vector<16xi32> -> vector<16xi32>
      %lt3A_173 = arith.constant 0 : i32
      %lt3A_174 = vector.broadcast %lt3A_173 : i32 to vector<16xi32>
      %lt3A_175 = arith.cmpi slt, %max3A_152, %lt3A_174 : vector<16xi32>
      %add3A_176 = arith.constant 16 : i32
      %add3A_177 = vector.broadcast %add3A_176 : i32 to vector<16xi32>
      %add3A_178 = arith.addi %max3A_152, %add3A_177 : vector<16xi32>
      %select_n3A_179 = arith.select %lt3A_175, %add3A_178, %max3A_152 : vector<16xi1>, vector<16xi32>
      %broadcast_in_dim3A_180 = vector.shape_cast %select_n3A_179 : vector<16xi32> to vector<16x1xi32>
      %gather3A_181 = vector.shape_cast %broadcast_in_dim3A_180 : vector<16x1xi32> to vector<16xi32>
      %gather3A_182 = tpu.dynamic_gather %max3A_140[%gather3A_181] in [0] : vector<16xf32>, vector<16xi32> -> vector<16xf32>
      %lt3A_183 = arith.constant 0 : i32
      %lt3A_184 = vector.broadcast %lt3A_183 : i32 to vector<16xi32>
      %lt3A_185 = arith.cmpi slt, %max3A_152, %lt3A_184 : vector<16xi32>
      %add3A_186 = arith.constant 16 : i32
      %add3A_187 = vector.broadcast %add3A_186 : i32 to vector<16xi32>
      %add3A_188 = arith.addi %max3A_152, %add3A_187 : vector<16xi32>
      %select_n3A_189 = arith.select %lt3A_185, %add3A_188, %max3A_152 : vector<16xi1>, vector<16xi32>
      %broadcast_in_dim3A_190 = vector.shape_cast %select_n3A_189 : vector<16xi32> to vector<16x1xi32>
      %gather3A_191 = vector.shape_cast %broadcast_in_dim3A_190 : vector<16x1xi32> to vector<16xi32>
      %gather3A_192 = tpu.dynamic_gather %get3A_20[%gather3A_191] in [0] : vector<16xi32>, vector<16xi32> -> vector<16xi32>
      %eq3A_193 = arith.cmpi eq, %gather3A_172, %get3A_20 : vector<16xi32>
      %jit3A_194 = arith.constant 0.000000e+00 : f32
      %broadcast_in_dim3A_195 = vector.broadcast %jit3A_194 : f32 to vector<16xf32>
      %select_n3A_196 = arith.select %eq3A_193, %gather3A_162, %broadcast_in_dim3A_195 : vector<16xi1>, vector<16xf32>
      %max3A_197 = arith.maximumf %max3A_140, %select_n3A_196 : vector<16xf32>
      %eq3A_198 = arith.cmpi eq, %gather3A_192, %get3A_20 : vector<16xi32>
      %jit3A_199 = arith.constant 0.000000e+00 : f32
      %broadcast_in_dim3A_200 = vector.broadcast %jit3A_199 : f32 to vector<16xf32>
      %select_n3A_201 = arith.select %eq3A_198, %gather3A_182, %broadcast_in_dim3A_200 : vector<16xi1>, vector<16xf32>
      %max3A_202 = arith.maximumf %max3A_197, %select_n3A_201 : vector<16xf32>
      %add3A_203 = arith.constant 8 : i32
      %add3A_204 = vector.broadcast %add3A_203 : i32 to vector<16xi32>
      %add3A_205 = arith.addi %iota3A, %add3A_204 : vector<16xi32>
      %min3A_206 = arith.constant 15 : i32
      %min3A_207 = vector.broadcast %min3A_206 : i32 to vector<16xi32>
      %min3A_208 = arith.minsi %add3A_205, %min3A_207 : vector<16xi32>
      %sub3A_209 = arith.constant 8 : i32
      %sub3A_210 = vector.broadcast %sub3A_209 : i32 to vector<16xi32>
      %sub3A_211 = arith.subi %iota3A, %sub3A_210 : vector<16xi32>
      %max3A_212 = arith.constant 0 : i32
      %max3A_213 = vector.broadcast %max3A_212 : i32 to vector<16xi32>
      %max3A_214 = arith.maxsi %sub3A_211, %max3A_213 : vector<16xi32>
      %lt3A_215 = arith.constant 0 : i32
      %lt3A_216 = vector.broadcast %lt3A_215 : i32 to vector<16xi32>
      %lt3A_217 = arith.cmpi slt, %min3A_208, %lt3A_216 : vector<16xi32>
      %add3A_218 = arith.constant 16 : i32
      %add3A_219 = vector.broadcast %add3A_218 : i32 to vector<16xi32>
      %add3A_220 = arith.addi %min3A_208, %add3A_219 : vector<16xi32>
      %select_n3A_221 = arith.select %lt3A_217, %add3A_220, %min3A_208 : vector<16xi1>, vector<16xi32>
      %broadcast_in_dim3A_222 = vector.shape_cast %select_n3A_221 : vector<16xi32> to vector<16x1xi32>
      %gather3A_223 = vector.shape_cast %broadcast_in_dim3A_222 : vector<16x1xi32> to vector<16xi32>
      %gather3A_224 = tpu.dynamic_gather %max3A_202[%gather3A_223] in [0] : vector<16xf32>, vector<16xi32> -> vector<16xf32>
      %lt3A_225 = arith.constant 0 : i32
      %lt3A_226 = vector.broadcast %lt3A_225 : i32 to vector<16xi32>
      %lt3A_227 = arith.cmpi slt, %min3A_208, %lt3A_226 : vector<16xi32>
      %add3A_228 = arith.constant 16 : i32
      %add3A_229 = vector.broadcast %add3A_228 : i32 to vector<16xi32>
      %add3A_230 = arith.addi %min3A_208, %add3A_229 : vector<16xi32>
      %select_n3A_231 = arith.select %lt3A_227, %add3A_230, %min3A_208 : vector<16xi1>, vector<16xi32>
      %broadcast_in_dim3A_232 = vector.shape_cast %select_n3A_231 : vector<16xi32> to vector<16x1xi32>
      %gather3A_233 = vector.shape_cast %broadcast_in_dim3A_232 : vector<16x1xi32> to vector<16xi32>
      %gather3A_234 = tpu.dynamic_gather %get3A_20[%gather3A_233] in [0] : vector<16xi32>, vector<16xi32> -> vector<16xi32>
      %lt3A_235 = arith.constant 0 : i32
      %lt3A_236 = vector.broadcast %lt3A_235 : i32 to vector<16xi32>
      %lt3A_237 = arith.cmpi slt, %max3A_214, %lt3A_236 : vector<16xi32>
      %add3A_238 = arith.constant 16 : i32
      %add3A_239 = vector.broadcast %add3A_238 : i32 to vector<16xi32>
      %add3A_240 = arith.addi %max3A_214, %add3A_239 : vector<16xi32>
      %select_n3A_241 = arith.select %lt3A_237, %add3A_240, %max3A_214 : vector<16xi1>, vector<16xi32>
      %broadcast_in_dim3A_242 = vector.shape_cast %select_n3A_241 : vector<16xi32> to vector<16x1xi32>
      %gather3A_243 = vector.shape_cast %broadcast_in_dim3A_242 : vector<16x1xi32> to vector<16xi32>
      %gather3A_244 = tpu.dynamic_gather %max3A_202[%gather3A_243] in [0] : vector<16xf32>, vector<16xi32> -> vector<16xf32>
      %lt3A_245 = arith.constant 0 : i32
      %lt3A_246 = vector.broadcast %lt3A_245 : i32 to vector<16xi32>
      %lt3A_247 = arith.cmpi slt, %max3A_214, %lt3A_246 : vector<16xi32>
      %add3A_248 = arith.constant 16 : i32
      %add3A_249 = vector.broadcast %add3A_248 : i32 to vector<16xi32>
      %add3A_250 = arith.addi %max3A_214, %add3A_249 : vector<16xi32>
      %select_n3A_251 = arith.select %lt3A_247, %add3A_250, %max3A_214 : vector<16xi1>, vector<16xi32>
      %broadcast_in_dim3A_252 = vector.shape_cast %select_n3A_251 : vector<16xi32> to vector<16x1xi32>
      %gather3A_253 = vector.shape_cast %broadcast_in_dim3A_252 : vector<16x1xi32> to vector<16xi32>
      %gather3A_254 = tpu.dynamic_gather %get3A_20[%gather3A_253] in [0] : vector<16xi32>, vector<16xi32> -> vector<16xi32>
      %eq3A_255 = arith.cmpi eq, %gather3A_234, %get3A_20 : vector<16xi32>
      %jit3A_256 = arith.constant 0.000000e+00 : f32
      %broadcast_in_dim3A_257 = vector.broadcast %jit3A_256 : f32 to vector<16xf32>
      %select_n3A_258 = arith.select %eq3A_255, %gather3A_224, %broadcast_in_dim3A_257 : vector<16xi1>, vector<16xf32>
      %max3A_259 = arith.maximumf %max3A_202, %select_n3A_258 : vector<16xf32>
      %eq3A_260 = arith.cmpi eq, %gather3A_254, %get3A_20 : vector<16xi32>
      %jit3A_261 = arith.constant 0.000000e+00 : f32
      %broadcast_in_dim3A_262 = vector.broadcast %jit3A_261 : f32 to vector<16xf32>
      %select_n3A_263 = arith.select %eq3A_260, %gather3A_244, %broadcast_in_dim3A_262 : vector<16xi1>, vector<16xf32>
      %max3A_264 = arith.maximumf %max3A_259, %select_n3A_263 : vector<16xf32>
      %gather3A_265 = tpu.vector_load_idx %arg7[%get3A_20] : memref<10240xf32, #tpu.memory_space<vmem>>[vector<16xi32>], vector<16xf32>,
      %max3A_266 = arith.maximumf %gather3A_265, %max3A_264 : vector<16xf32>
      tpu.vector_store_idx %arg7[%get3A_20], %max3A_266 : memref<10240xf32, #tpu.memory_space<vmem>>[vector<16xi32>], vector<16xf32>,
    }
    %scan3A_14 = arith.constant 625 : i32
    %mul3A_15 = arith.constant 10240 : i32
    %mul3A_16 = arith.muli %add3A, %mul3A_15 : i32
    "tpu.region"() ({
      %run_scoped3A = tpu.sem_alloc : memref<!tpu.dma_semaphore, #tpu.memory_space<semaphore_mem>>
      %dma_start3A = tpu.memref_slice %arg4[%mul3A_16] : memref<327680xf32, #tpu.memory_space<hbm>> -> memref<10240xf32, #tpu.memory_space<hbm>>
      %dma_start3A_17 = tpu.memref_slice %arg4[%mul3A_16] : memref<327680xf32, #tpu.memory_space<hbm>> -> memref<10240xf32, #tpu.memory_space<hbm>>
      tpu.enqueue_dma source(%arg7 : memref<10240xf32, #tpu.memory_space<vmem>>) target(%dma_start3A_17 : memref<10240xf32, #tpu.memory_space<hbm>>) target_semaphore(%run_scoped3A : memref<!tpu.dma_semaphore, #tpu.memory_space<semaphore_mem>>)
      %dma_wait3A = tpu.memref_slice %arg4[%mul3A_16] : memref<327680xf32, #tpu.memory_space<hbm>> -> memref<10240xf32, #tpu.memory_space<hbm>>
      %dma_wait3A_18 = tpu.memref_slice %arg4[%mul3A_16] : memref<327680xf32, #tpu.memory_space<hbm>> -> memref<10240xf32, #tpu.memory_space<hbm>>
      tpu.wait_dma2 semaphore(%run_scoped3A : memref<!tpu.dma_semaphore, #tpu.memory_space<semaphore_mem>>) src(%arg7 : memref<10240xf32, #tpu.memory_space<vmem>>) dst(%dma_wait3A_18 : memref<10240xf32, #tpu.memory_space<hbm>>)
      tpu.yield
    }) : () -> ()
    return
  }
}

#map = affine_map<(d0, d1) -> (0)>
module attributes {stable_mosaic.version = 14 : i64} {
  func.func @_sc_fold_body(%arg0: i32, %arg1: i32, %arg2: memref<327680xf32, #tpu.memory_space<hbm>>, %arg3: memref<10240xf32, #tpu.memory_space<hbm>>, %arg4: memref<10240xf32, #tpu.memory_space<vmem>>, %arg5: memref<320xf32, #tpu.memory_space<vmem>>, %arg6: memref<!tpu.dma_semaphore, #tpu.memory_space<semaphore_mem>>) attributes {dimension_semantics = [#tpu.dimension_semantics<core_parallel>, #tpu.dimension_semantics<subcore_parallel>], iteration_bounds = array<i64: 2, 16>, scalar_prefetch = 0 : i64, scratch_operands = 3 : i64, tpu.core_type = #tpu.core_type<sc_vector_subcore>, window_params = [{transform_indices = #map}, {transform_indices = #map}]} {
    %mul3A = arith.constant 2 : i32
    %mul3A_0 = arith.muli %arg1, %mul3A : i32
    %add3A = arith.addi %mul3A_0, %arg0 : i32
    %mul3A_1 = arith.constant 320 : i32
    %mul3A_2 = arith.muli %add3A, %mul3A_1 : i32
    %add3A_3 = arith.constant 0 : i32
    %add3A_4 = arith.addi %add3A_3, %mul3A_2 : i32
    %dma_start3A = arith.constant 0 : i32
    %dma_start3A_5 = tpu.memref_slice %arg4[%dma_start3A] : memref<10240xf32, #tpu.memory_space<vmem>> -> memref<320xf32, #tpu.memory_space<vmem>>
    %dma_start3A_6 = tpu.memref_slice %arg2[%add3A_4] : memref<327680xf32, #tpu.memory_space<hbm>> -> memref<320xf32, #tpu.memory_space<hbm>>
    %dma_start3A_7 = arith.constant 0 : i32
    %dma_start3A_8 = tpu.memref_slice %arg4[%dma_start3A_7] : memref<10240xf32, #tpu.memory_space<vmem>> -> memref<320xf32, #tpu.memory_space<vmem>>
    %dma_start3A_9 = tpu.memref_slice %arg2[%add3A_4] : memref<327680xf32, #tpu.memory_space<hbm>> -> memref<320xf32, #tpu.memory_space<hbm>>
    tpu.enqueue_dma source(%dma_start3A_9 : memref<320xf32, #tpu.memory_space<hbm>>) target(%dma_start3A_8 : memref<320xf32, #tpu.memory_space<vmem>>) target_semaphore(%arg6 : memref<!tpu.dma_semaphore, #tpu.memory_space<semaphore_mem>>)
    %add3A_10 = arith.constant 10240 : i32
    %add3A_11 = arith.addi %add3A_10, %mul3A_2 : i32
    %dma_start3A_12 = arith.constant 320 : i32
    %dma_start3A_13 = tpu.memref_slice %arg4[%dma_start3A_12] : memref<10240xf32, #tpu.memory_space<vmem>> -> memref<320xf32, #tpu.memory_space<vmem>>
    %dma_start3A_14 = tpu.memref_slice %arg2[%add3A_11] : memref<327680xf32, #tpu.memory_space<hbm>> -> memref<320xf32, #tpu.memory_space<hbm>>
    %dma_start3A_15 = arith.constant 320 : i32
    %dma_start3A_16 = tpu.memref_slice %arg4[%dma_start3A_15] : memref<10240xf32, #tpu.memory_space<vmem>> -> memref<320xf32, #tpu.memory_space<vmem>>
    %dma_start3A_17 = tpu.memref_slice %arg2[%add3A_11] : memref<327680xf32, #tpu.memory_space<hbm>> -> memref<320xf32, #tpu.memory_space<hbm>>
    tpu.enqueue_dma source(%dma_start3A_17 : memref<320xf32, #tpu.memory_space<hbm>>) target(%dma_start3A_16 : memref<320xf32, #tpu.memory_space<vmem>>) target_semaphore(%arg6 : memref<!tpu.dma_semaphore, #tpu.memory_space<semaphore_mem>>)
    %add3A_18 = arith.constant 20480 : i32
    %add3A_19 = arith.addi %add3A_18, %mul3A_2 : i32
    %dma_start3A_20 = arith.constant 640 : i32
    %dma_start3A_21 = tpu.memref_slice %arg4[%dma_start3A_20] : memref<10240xf32, #tpu.memory_space<vmem>> -> memref<320xf32, #tpu.memory_space<vmem>>
    %dma_start3A_22 = tpu.memref_slice %arg2[%add3A_19] : memref<327680xf32, #tpu.memory_space<hbm>> -> memref<320xf32, #tpu.memory_space<hbm>>
    %dma_start3A_23 = arith.constant 640 : i32
    %dma_start3A_24 = tpu.memref_slice %arg4[%dma_start3A_23] : memref<10240xf32, #tpu.memory_space<vmem>> -> memref<320xf32, #tpu.memory_space<vmem>>
    %dma_start3A_25 = tpu.memref_slice %arg2[%add3A_19] : memref<327680xf32, #tpu.memory_space<hbm>> -> memref<320xf32, #tpu.memory_space<hbm>>
    tpu.enqueue_dma source(%dma_start3A_25 : memref<320xf32, #tpu.memory_space<hbm>>) target(%dma_start3A_24 : memref<320xf32, #tpu.memory_space<vmem>>) target_semaphore(%arg6 : memref<!tpu.dma_semaphore, #tpu.memory_space<semaphore_mem>>)
    %add3A_26 = arith.constant 30720 : i32
    %add3A_27 = arith.addi %add3A_26, %mul3A_2 : i32
    %dma_start3A_28 = arith.constant 960 : i32
    %dma_start3A_29 = tpu.memref_slice %arg4[%dma_start3A_28] : memref<10240xf32, #tpu.memory_space<vmem>> -> memref<320xf32, #tpu.memory_space<vmem>>
    %dma_start3A_30 = tpu.memref_slice %arg2[%add3A_27] : memref<327680xf32, #tpu.memory_space<hbm>> -> memref<320xf32, #tpu.memory_space<hbm>>
    %dma_start3A_31 = arith.constant 960 : i32
    %dma_start3A_32 = tpu.memref_slice %arg4[%dma_start3A_31] : memref<10240xf32, #tpu.memory_space<vmem>> -> memref<320xf32, #tpu.memory_space<vmem>>
    %dma_start3A_33 = tpu.memref_slice %arg2[%add3A_27] : memref<327680xf32, #tpu.memory_space<hbm>> -> memref<320xf32, #tpu.memory_space<hbm>>
    tpu.enqueue_dma source(%dma_start3A_33 : memref<320xf32, #tpu.memory_space<hbm>>) target(%dma_start3A_32 : memref<320xf32, #tpu.memory_space<vmem>>) target_semaphore(%arg6 : memref<!tpu.dma_semaphore, #tpu.memory_space<semaphore_mem>>)
    %add3A_34 = arith.constant 40960 : i32
    %add3A_35 = arith.addi %add3A_34, %mul3A_2 : i32
    %dma_start3A_36 = arith.constant 1280 : i32
    %dma_start3A_37 = tpu.memref_slice %arg4[%dma_start3A_36] : memref<10240xf32, #tpu.memory_space<vmem>> -> memref<320xf32, #tpu.memory_space<vmem>>
    %dma_start3A_38 = tpu.memref_slice %arg2[%add3A_35] : memref<327680xf32, #tpu.memory_space<hbm>> -> memref<320xf32, #tpu.memory_space<hbm>>
    %dma_start3A_39 = arith.constant 1280 : i32
    %dma_start3A_40 = tpu.memref_slice %arg4[%dma_start3A_39] : memref<10240xf32, #tpu.memory_space<vmem>> -> memref<320xf32, #tpu.memory_space<vmem>>
    %dma_start3A_41 = tpu.memref_slice %arg2[%add3A_35] : memref<327680xf32, #tpu.memory_space<hbm>> -> memref<320xf32, #tpu.memory_space<hbm>>
    tpu.enqueue_dma source(%dma_start3A_41 : memref<320xf32, #tpu.memory_space<hbm>>) target(%dma_start3A_40 : memref<320xf32, #tpu.memory_space<vmem>>) target_semaphore(%arg6 : memref<!tpu.dma_semaphore, #tpu.memory_space<semaphore_mem>>)
    %add3A_42 = arith.constant 51200 : i32
    %add3A_43 = arith.addi %add3A_42, %mul3A_2 : i32
    %dma_start3A_44 = arith.constant 1600 : i32
    %dma_start3A_45 = tpu.memref_slice %arg4[%dma_start3A_44] : memref<10240xf32, #tpu.memory_space<vmem>> -> memref<320xf32, #tpu.memory_space<vmem>>
    %dma_start3A_46 = tpu.memref_slice %arg2[%add3A_43] : memref<327680xf32, #tpu.memory_space<hbm>> -> memref<320xf32, #tpu.memory_space<hbm>>
    %dma_start3A_47 = arith.constant 1600 : i32
    %dma_start3A_48 = tpu.memref_slice %arg4[%dma_start3A_47] : memref<10240xf32, #tpu.memory_space<vmem>> -> memref<320xf32, #tpu.memory_space<vmem>>
    %dma_start3A_49 = tpu.memref_slice %arg2[%add3A_43] : memref<327680xf32, #tpu.memory_space<hbm>> -> memref<320xf32, #tpu.memory_space<hbm>>
    tpu.enqueue_dma source(%dma_start3A_49 : memref<320xf32, #tpu.memory_space<hbm>>) target(%dma_start3A_48 : memref<320xf32, #tpu.memory_space<vmem>>) target_semaphore(%arg6 : memref<!tpu.dma_semaphore, #tpu.memory_space<semaphore_mem>>)
    %add3A_50 = arith.constant 61440 : i32
    %add3A_51 = arith.addi %add3A_50, %mul3A_2 : i32
    %dma_start3A_52 = arith.constant 1920 : i32
    %dma_start3A_53 = tpu.memref_slice %arg4[%dma_start3A_52] : memref<10240xf32, #tpu.memory_space<vmem>> -> memref<320xf32, #tpu.memory_space<vmem>>
    %dma_start3A_54 = tpu.memref_slice %arg2[%add3A_51] : memref<327680xf32, #tpu.memory_space<hbm>> -> memref<320xf32, #tpu.memory_space<hbm>>
    %dma_start3A_55 = arith.constant 1920 : i32
    %dma_start3A_56 = tpu.memref_slice %arg4[%dma_start3A_55] : memref<10240xf32, #tpu.memory_space<vmem>> -> memref<320xf32, #tpu.memory_space<vmem>>
    %dma_start3A_57 = tpu.memref_slice %arg2[%add3A_51] : memref<327680xf32, #tpu.memory_space<hbm>> -> memref<320xf32, #tpu.memory_space<hbm>>
    tpu.enqueue_dma source(%dma_start3A_57 : memref<320xf32, #tpu.memory_space<hbm>>) target(%dma_start3A_56 : memref<320xf32, #tpu.memory_space<vmem>>) target_semaphore(%arg6 : memref<!tpu.dma_semaphore, #tpu.memory_space<semaphore_mem>>)
    %add3A_58 = arith.constant 71680 : i32
    %add3A_59 = arith.addi %add3A_58, %mul3A_2 : i32
    %dma_start3A_60 = arith.constant 2240 : i32
    %dma_start3A_61 = tpu.memref_slice %arg4[%dma_start3A_60] : memref<10240xf32, #tpu.memory_space<vmem>> -> memref<320xf32, #tpu.memory_space<vmem>>
    %dma_start3A_62 = tpu.memref_slice %arg2[%add3A_59] : memref<327680xf32, #tpu.memory_space<hbm>> -> memref<320xf32, #tpu.memory_space<hbm>>
    %dma_start3A_63 = arith.constant 2240 : i32
    %dma_start3A_64 = tpu.memref_slice %arg4[%dma_start3A_63] : memref<10240xf32, #tpu.memory_space<vmem>> -> memref<320xf32, #tpu.memory_space<vmem>>
    %dma_start3A_65 = tpu.memref_slice %arg2[%add3A_59] : memref<327680xf32, #tpu.memory_space<hbm>> -> memref<320xf32, #tpu.memory_space<hbm>>
    tpu.enqueue_dma source(%dma_start3A_65 : memref<320xf32, #tpu.memory_space<hbm>>) target(%dma_start3A_64 : memref<320xf32, #tpu.memory_space<vmem>>) target_semaphore(%arg6 : memref<!tpu.dma_semaphore, #tpu.memory_space<semaphore_mem>>)
    %add3A_66 = arith.constant 81920 : i32
    %add3A_67 = arith.addi %add3A_66, %mul3A_2 : i32
    %dma_start3A_68 = arith.constant 2560 : i32
    %dma_start3A_69 = tpu.memref_slice %arg4[%dma_start3A_68] : memref<10240xf32, #tpu.memory_space<vmem>> -> memref<320xf32, #tpu.memory_space<vmem>>
    %dma_start3A_70 = tpu.memref_slice %arg2[%add3A_67] : memref<327680xf32, #tpu.memory_space<hbm>> -> memref<320xf32, #tpu.memory_space<hbm>>
    %dma_start3A_71 = arith.constant 2560 : i32
    %dma_start3A_72 = tpu.memref_slice %arg4[%dma_start3A_71] : memref<10240xf32, #tpu.memory_space<vmem>> -> memref<320xf32, #tpu.memory_space<vmem>>
    %dma_start3A_73 = tpu.memref_slice %arg2[%add3A_67] : memref<327680xf32, #tpu.memory_space<hbm>> -> memref<320xf32, #tpu.memory_space<hbm>>
    tpu.enqueue_dma source(%dma_start3A_73 : memref<320xf32, #tpu.memory_space<hbm>>) target(%dma_start3A_72 : memref<320xf32, #tpu.memory_space<vmem>>) target_semaphore(%arg6 : memref<!tpu.dma_semaphore, #tpu.memory_space<semaphore_mem>>)
    %add3A_74 = arith.constant 92160 : i32
    %add3A_75 = arith.addi %add3A_74, %mul3A_2 : i32
    %dma_start3A_76 = arith.constant 2880 : i32
    %dma_start3A_77 = tpu.memref_slice %arg4[%dma_start3A_76] : memref<10240xf32, #tpu.memory_space<vmem>> -> memref<320xf32, #tpu.memory_space<vmem>>
    %dma_start3A_78 = tpu.memref_slice %arg2[%add3A_75] : memref<327680xf32, #tpu.memory_space<hbm>> -> memref<320xf32, #tpu.memory_space<hbm>>
    %dma_start3A_79 = arith.constant 2880 : i32
    %dma_start3A_80 = tpu.memref_slice %arg4[%dma_start3A_79] : memref<10240xf32, #tpu.memory_space<vmem>> -> memref<320xf32, #tpu.memory_space<vmem>>
    %dma_start3A_81 = tpu.memref_slice %arg2[%add3A_75] : memref<327680xf32, #tpu.memory_space<hbm>> -> memref<320xf32, #tpu.memory_space<hbm>>
    tpu.enqueue_dma source(%dma_start3A_81 : memref<320xf32, #tpu.memory_space<hbm>>) target(%dma_start3A_80 : memref<320xf32, #tpu.memory_space<vmem>>) target_semaphore(%arg6 : memref<!tpu.dma_semaphore, #tpu.memory_space<semaphore_mem>>)
    %add3A_82 = arith.constant 102400 : i32
    %add3A_83 = arith.addi %add3A_82, %mul3A_2 : i32
    %dma_start3A_84 = arith.constant 3200 : i32
    %dma_start3A_85 = tpu.memref_slice %arg4[%dma_start3A_84] : memref<10240xf32, #tpu.memory_space<vmem>> -> memref<320xf32, #tpu.memory_space<vmem>>
    %dma_start3A_86 = tpu.memref_slice %arg2[%add3A_83] : memref<327680xf32, #tpu.memory_space<hbm>> -> memref<320xf32, #tpu.memory_space<hbm>>
    %dma_start3A_87 = arith.constant 3200 : i32
    %dma_start3A_88 = tpu.memref_slice %arg4[%dma_start3A_87] : memref<10240xf32, #tpu.memory_space<vmem>> -> memref<320xf32, #tpu.memory_space<vmem>>
    %dma_start3A_89 = tpu.memref_slice %arg2[%add3A_83] : memref<327680xf32, #tpu.memory_space<hbm>> -> memref<320xf32, #tpu.memory_space<hbm>>
    tpu.enqueue_dma source(%dma_start3A_89 : memref<320xf32, #tpu.memory_space<hbm>>) target(%dma_start3A_88 : memref<320xf32, #tpu.memory_space<vmem>>) target_semaphore(%arg6 : memref<!tpu.dma_semaphore, #tpu.memory_space<semaphore_mem>>)
    %add3A_90 = arith.constant 112640 : i32
    %add3A_91 = arith.addi %add3A_90, %mul3A_2 : i32
    %dma_start3A_92 = arith.constant 3520 : i32
    %dma_start3A_93 = tpu.memref_slice %arg4[%dma_start3A_92] : memref<10240xf32, #tpu.memory_space<vmem>> -> memref<320xf32, #tpu.memory_space<vmem>>
    %dma_start3A_94 = tpu.memref_slice %arg2[%add3A_91] : memref<327680xf32, #tpu.memory_space<hbm>> -> memref<320xf32, #tpu.memory_space<hbm>>
    %dma_start3A_95 = arith.constant 3520 : i32
    %dma_start3A_96 = tpu.memref_slice %arg4[%dma_start3A_95] : memref<10240xf32, #tpu.memory_space<vmem>> -> memref<320xf32, #tpu.memory_space<vmem>>
    %dma_start3A_97 = tpu.memref_slice %arg2[%add3A_91] : memref<327680xf32, #tpu.memory_space<hbm>> -> memref<320xf32, #tpu.memory_space<hbm>>
    tpu.enqueue_dma source(%dma_start3A_97 : memref<320xf32, #tpu.memory_space<hbm>>) target(%dma_start3A_96 : memref<320xf32, #tpu.memory_space<vmem>>) target_semaphore(%arg6 : memref<!tpu.dma_semaphore, #tpu.memory_space<semaphore_mem>>)
    %add3A_98 = arith.constant 122880 : i32
    %add3A_99 = arith.addi %add3A_98, %mul3A_2 : i32
    %dma_start3A_100 = arith.constant 3840 : i32
    %dma_start3A_101 = tpu.memref_slice %arg4[%dma_start3A_100] : memref<10240xf32, #tpu.memory_space<vmem>> -> memref<320xf32, #tpu.memory_space<vmem>>
    %dma_start3A_102 = tpu.memref_slice %arg2[%add3A_99] : memref<327680xf32, #tpu.memory_space<hbm>> -> memref<320xf32, #tpu.memory_space<hbm>>
    %dma_start3A_103 = arith.constant 3840 : i32
    %dma_start3A_104 = tpu.memref_slice %arg4[%dma_start3A_103] : memref<10240xf32, #tpu.memory_space<vmem>> -> memref<320xf32, #tpu.memory_space<vmem>>
    %dma_start3A_105 = tpu.memref_slice %arg2[%add3A_99] : memref<327680xf32, #tpu.memory_space<hbm>> -> memref<320xf32, #tpu.memory_space<hbm>>
    tpu.enqueue_dma source(%dma_start3A_105 : memref<320xf32, #tpu.memory_space<hbm>>) target(%dma_start3A_104 : memref<320xf32, #tpu.memory_space<vmem>>) target_semaphore(%arg6 : memref<!tpu.dma_semaphore, #tpu.memory_space<semaphore_mem>>)
    %add3A_106 = arith.constant 133120 : i32
    %add3A_107 = arith.addi %add3A_106, %mul3A_2 : i32
    %dma_start3A_108 = arith.constant 4160 : i32
    %dma_start3A_109 = tpu.memref_slice %arg4[%dma_start3A_108] : memref<10240xf32, #tpu.memory_space<vmem>> -> memref<320xf32, #tpu.memory_space<vmem>>
    %dma_start3A_110 = tpu.memref_slice %arg2[%add3A_107] : memref<327680xf32, #tpu.memory_space<hbm>> -> memref<320xf32, #tpu.memory_space<hbm>>
    %dma_start3A_111 = arith.constant 4160 : i32
    %dma_start3A_112 = tpu.memref_slice %arg4[%dma_start3A_111] : memref<10240xf32, #tpu.memory_space<vmem>> -> memref<320xf32, #tpu.memory_space<vmem>>
    %dma_start3A_113 = tpu.memref_slice %arg2[%add3A_107] : memref<327680xf32, #tpu.memory_space<hbm>> -> memref<320xf32, #tpu.memory_space<hbm>>
    tpu.enqueue_dma source(%dma_start3A_113 : memref<320xf32, #tpu.memory_space<hbm>>) target(%dma_start3A_112 : memref<320xf32, #tpu.memory_space<vmem>>) target_semaphore(%arg6 : memref<!tpu.dma_semaphore, #tpu.memory_space<semaphore_mem>>)
    %add3A_114 = arith.constant 143360 : i32
    %add3A_115 = arith.addi %add3A_114, %mul3A_2 : i32
    %dma_start3A_116 = arith.constant 4480 : i32
    %dma_start3A_117 = tpu.memref_slice %arg4[%dma_start3A_116] : memref<10240xf32, #tpu.memory_space<vmem>> -> memref<320xf32, #tpu.memory_space<vmem>>
    %dma_start3A_118 = tpu.memref_slice %arg2[%add3A_115] : memref<327680xf32, #tpu.memory_space<hbm>> -> memref<320xf32, #tpu.memory_space<hbm>>
    %dma_start3A_119 = arith.constant 4480 : i32
    %dma_start3A_120 = tpu.memref_slice %arg4[%dma_start3A_119] : memref<10240xf32, #tpu.memory_space<vmem>> -> memref<320xf32, #tpu.memory_space<vmem>>
    %dma_start3A_121 = tpu.memref_slice %arg2[%add3A_115] : memref<327680xf32, #tpu.memory_space<hbm>> -> memref<320xf32, #tpu.memory_space<hbm>>
    tpu.enqueue_dma source(%dma_start3A_121 : memref<320xf32, #tpu.memory_space<hbm>>) target(%dma_start3A_120 : memref<320xf32, #tpu.memory_space<vmem>>) target_semaphore(%arg6 : memref<!tpu.dma_semaphore, #tpu.memory_space<semaphore_mem>>)
    %add3A_122 = arith.constant 153600 : i32
    %add3A_123 = arith.addi %add3A_122, %mul3A_2 : i32
    %dma_start3A_124 = arith.constant 4800 : i32
    %dma_start3A_125 = tpu.memref_slice %arg4[%dma_start3A_124] : memref<10240xf32, #tpu.memory_space<vmem>> -> memref<320xf32, #tpu.memory_space<vmem>>
    %dma_start3A_126 = tpu.memref_slice %arg2[%add3A_123] : memref<327680xf32, #tpu.memory_space<hbm>> -> memref<320xf32, #tpu.memory_space<hbm>>
    %dma_start3A_127 = arith.constant 4800 : i32
    %dma_start3A_128 = tpu.memref_slice %arg4[%dma_start3A_127] : memref<10240xf32, #tpu.memory_space<vmem>> -> memref<320xf32, #tpu.memory_space<vmem>>
    %dma_start3A_129 = tpu.memref_slice %arg2[%add3A_123] : memref<327680xf32, #tpu.memory_space<hbm>> -> memref<320xf32, #tpu.memory_space<hbm>>
    tpu.enqueue_dma source(%dma_start3A_129 : memref<320xf32, #tpu.memory_space<hbm>>) target(%dma_start3A_128 : memref<320xf32, #tpu.memory_space<vmem>>) target_semaphore(%arg6 : memref<!tpu.dma_semaphore, #tpu.memory_space<semaphore_mem>>)
    %add3A_130 = arith.constant 163840 : i32
    %add3A_131 = arith.addi %add3A_130, %mul3A_2 : i32
    %dma_start3A_132 = arith.constant 5120 : i32
    %dma_start3A_133 = tpu.memref_slice %arg4[%dma_start3A_132] : memref<10240xf32, #tpu.memory_space<vmem>> -> memref<320xf32, #tpu.memory_space<vmem>>
    %dma_start3A_134 = tpu.memref_slice %arg2[%add3A_131] : memref<327680xf32, #tpu.memory_space<hbm>> -> memref<320xf32, #tpu.memory_space<hbm>>
    %dma_start3A_135 = arith.constant 5120 : i32
    %dma_start3A_136 = tpu.memref_slice %arg4[%dma_start3A_135] : memref<10240xf32, #tpu.memory_space<vmem>> -> memref<320xf32, #tpu.memory_space<vmem>>
    %dma_start3A_137 = tpu.memref_slice %arg2[%add3A_131] : memref<327680xf32, #tpu.memory_space<hbm>> -> memref<320xf32, #tpu.memory_space<hbm>>
    tpu.enqueue_dma source(%dma_start3A_137 : memref<320xf32, #tpu.memory_space<hbm>>) target(%dma_start3A_136 : memref<320xf32, #tpu.memory_space<vmem>>) target_semaphore(%arg6 : memref<!tpu.dma_semaphore, #tpu.memory_space<semaphore_mem>>)
    %add3A_138 = arith.constant 174080 : i32
    %add3A_139 = arith.addi %add3A_138, %mul3A_2 : i32
    %dma_start3A_140 = arith.constant 5440 : i32
    %dma_start3A_141 = tpu.memref_slice %arg4[%dma_start3A_140] : memref<10240xf32, #tpu.memory_space<vmem>> -> memref<320xf32, #tpu.memory_space<vmem>>
    %dma_start3A_142 = tpu.memref_slice %arg2[%add3A_139] : memref<327680xf32, #tpu.memory_space<hbm>> -> memref<320xf32, #tpu.memory_space<hbm>>
    %dma_start3A_143 = arith.constant 5440 : i32
    %dma_start3A_144 = tpu.memref_slice %arg4[%dma_start3A_143] : memref<10240xf32, #tpu.memory_space<vmem>> -> memref<320xf32, #tpu.memory_space<vmem>>
    %dma_start3A_145 = tpu.memref_slice %arg2[%add3A_139] : memref<327680xf32, #tpu.memory_space<hbm>> -> memref<320xf32, #tpu.memory_space<hbm>>
    tpu.enqueue_dma source(%dma_start3A_145 : memref<320xf32, #tpu.memory_space<hbm>>) target(%dma_start3A_144 : memref<320xf32, #tpu.memory_space<vmem>>) target_semaphore(%arg6 : memref<!tpu.dma_semaphore, #tpu.memory_space<semaphore_mem>>)
    %add3A_146 = arith.constant 184320 : i32
    %add3A_147 = arith.addi %add3A_146, %mul3A_2 : i32
    %dma_start3A_148 = arith.constant 5760 : i32
    %dma_start3A_149 = tpu.memref_slice %arg4[%dma_start3A_148] : memref<10240xf32, #tpu.memory_space<vmem>> -> memref<320xf32, #tpu.memory_space<vmem>>
    %dma_start3A_150 = tpu.memref_slice %arg2[%add3A_147] : memref<327680xf32, #tpu.memory_space<hbm>> -> memref<320xf32, #tpu.memory_space<hbm>>
    %dma_start3A_151 = arith.constant 5760 : i32
    %dma_start3A_152 = tpu.memref_slice %arg4[%dma_start3A_151] : memref<10240xf32, #tpu.memory_space<vmem>> -> memref<320xf32, #tpu.memory_space<vmem>>
    %dma_start3A_153 = tpu.memref_slice %arg2[%add3A_147] : memref<327680xf32, #tpu.memory_space<hbm>> -> memref<320xf32, #tpu.memory_space<hbm>>
    tpu.enqueue_dma source(%dma_start3A_153 : memref<320xf32, #tpu.memory_space<hbm>>) target(%dma_start3A_152 : memref<320xf32, #tpu.memory_space<vmem>>) target_semaphore(%arg6 : memref<!tpu.dma_semaphore, #tpu.memory_space<semaphore_mem>>)
    %add3A_154 = arith.constant 194560 : i32
    %add3A_155 = arith.addi %add3A_154, %mul3A_2 : i32
    %dma_start3A_156 = arith.constant 6080 : i32
    %dma_start3A_157 = tpu.memref_slice %arg4[%dma_start3A_156] : memref<10240xf32, #tpu.memory_space<vmem>> -> memref<320xf32, #tpu.memory_space<vmem>>
    %dma_start3A_158 = tpu.memref_slice %arg2[%add3A_155] : memref<327680xf32, #tpu.memory_space<hbm>> -> memref<320xf32, #tpu.memory_space<hbm>>
    %dma_start3A_159 = arith.constant 6080 : i32
    %dma_start3A_160 = tpu.memref_slice %arg4[%dma_start3A_159] : memref<10240xf32, #tpu.memory_space<vmem>> -> memref<320xf32, #tpu.memory_space<vmem>>
    %dma_start3A_161 = tpu.memref_slice %arg2[%add3A_155] : memref<327680xf32, #tpu.memory_space<hbm>> -> memref<320xf32, #tpu.memory_space<hbm>>
    tpu.enqueue_dma source(%dma_start3A_161 : memref<320xf32, #tpu.memory_space<hbm>>) target(%dma_start3A_160 : memref<320xf32, #tpu.memory_space<vmem>>) target_semaphore(%arg6 : memref<!tpu.dma_semaphore, #tpu.memory_space<semaphore_mem>>)
    %add3A_162 = arith.constant 204800 : i32
    %add3A_163 = arith.addi %add3A_162, %mul3A_2 : i32
    %dma_start3A_164 = arith.constant 6400 : i32
    %dma_start3A_165 = tpu.memref_slice %arg4[%dma_start3A_164] : memref<10240xf32, #tpu.memory_space<vmem>> -> memref<320xf32, #tpu.memory_space<vmem>>
    %dma_start3A_166 = tpu.memref_slice %arg2[%add3A_163] : memref<327680xf32, #tpu.memory_space<hbm>> -> memref<320xf32, #tpu.memory_space<hbm>>
    %dma_start3A_167 = arith.constant 6400 : i32
    %dma_start3A_168 = tpu.memref_slice %arg4[%dma_start3A_167] : memref<10240xf32, #tpu.memory_space<vmem>> -> memref<320xf32, #tpu.memory_space<vmem>>
    %dma_start3A_169 = tpu.memref_slice %arg2[%add3A_163] : memref<327680xf32, #tpu.memory_space<hbm>> -> memref<320xf32, #tpu.memory_space<hbm>>
    tpu.enqueue_dma source(%dma_start3A_169 : memref<320xf32, #tpu.memory_space<hbm>>) target(%dma_start3A_168 : memref<320xf32, #tpu.memory_space<vmem>>) target_semaphore(%arg6 : memref<!tpu.dma_semaphore, #tpu.memory_space<semaphore_mem>>)
    %add3A_170 = arith.constant 215040 : i32
    %add3A_171 = arith.addi %add3A_170, %mul3A_2 : i32
    %dma_start3A_172 = arith.constant 6720 : i32
    %dma_start3A_173 = tpu.memref_slice %arg4[%dma_start3A_172] : memref<10240xf32, #tpu.memory_space<vmem>> -> memref<320xf32, #tpu.memory_space<vmem>>
    %dma_start3A_174 = tpu.memref_slice %arg2[%add3A_171] : memref<327680xf32, #tpu.memory_space<hbm>> -> memref<320xf32, #tpu.memory_space<hbm>>
    %dma_start3A_175 = arith.constant 6720 : i32
    %dma_start3A_176 = tpu.memref_slice %arg4[%dma_start3A_175] : memref<10240xf32, #tpu.memory_space<vmem>> -> memref<320xf32, #tpu.memory_space<vmem>>
    %dma_start3A_177 = tpu.memref_slice %arg2[%add3A_171] : memref<327680xf32, #tpu.memory_space<hbm>> -> memref<320xf32, #tpu.memory_space<hbm>>
    tpu.enqueue_dma source(%dma_start3A_177 : memref<320xf32, #tpu.memory_space<hbm>>) target(%dma_start3A_176 : memref<320xf32, #tpu.memory_space<vmem>>) target_semaphore(%arg6 : memref<!tpu.dma_semaphore, #tpu.memory_space<semaphore_mem>>)
    %add3A_178 = arith.constant 225280 : i32
    %add3A_179 = arith.addi %add3A_178, %mul3A_2 : i32
    %dma_start3A_180 = arith.constant 7040 : i32
    %dma_start3A_181 = tpu.memref_slice %arg4[%dma_start3A_180] : memref<10240xf32, #tpu.memory_space<vmem>> -> memref<320xf32, #tpu.memory_space<vmem>>
    %dma_start3A_182 = tpu.memref_slice %arg2[%add3A_179] : memref<327680xf32, #tpu.memory_space<hbm>> -> memref<320xf32, #tpu.memory_space<hbm>>
    %dma_start3A_183 = arith.constant 7040 : i32
    %dma_start3A_184 = tpu.memref_slice %arg4[%dma_start3A_183] : memref<10240xf32, #tpu.memory_space<vmem>> -> memref<320xf32, #tpu.memory_space<vmem>>
    %dma_start3A_185 = tpu.memref_slice %arg2[%add3A_179] : memref<327680xf32, #tpu.memory_space<hbm>> -> memref<320xf32, #tpu.memory_space<hbm>>
    tpu.enqueue_dma source(%dma_start3A_185 : memref<320xf32, #tpu.memory_space<hbm>>) target(%dma_start3A_184 : memref<320xf32, #tpu.memory_space<vmem>>) target_semaphore(%arg6 : memref<!tpu.dma_semaphore, #tpu.memory_space<semaphore_mem>>)
    %add3A_186 = arith.constant 235520 : i32
    %add3A_187 = arith.addi %add3A_186, %mul3A_2 : i32
    %dma_start3A_188 = arith.constant 7360 : i32
    %dma_start3A_189 = tpu.memref_slice %arg4[%dma_start3A_188] : memref<10240xf32, #tpu.memory_space<vmem>> -> memref<320xf32, #tpu.memory_space<vmem>>
    %dma_start3A_190 = tpu.memref_slice %arg2[%add3A_187] : memref<327680xf32, #tpu.memory_space<hbm>> -> memref<320xf32, #tpu.memory_space<hbm>>
    %dma_start3A_191 = arith.constant 7360 : i32
    %dma_start3A_192 = tpu.memref_slice %arg4[%dma_start3A_191] : memref<10240xf32, #tpu.memory_space<vmem>> -> memref<320xf32, #tpu.memory_space<vmem>>
    %dma_start3A_193 = tpu.memref_slice %arg2[%add3A_187] : memref<327680xf32, #tpu.memory_space<hbm>> -> memref<320xf32, #tpu.memory_space<hbm>>
    tpu.enqueue_dma source(%dma_start3A_193 : memref<320xf32, #tpu.memory_space<hbm>>) target(%dma_start3A_192 : memref<320xf32, #tpu.memory_space<vmem>>) target_semaphore(%arg6 : memref<!tpu.dma_semaphore, #tpu.memory_space<semaphore_mem>>)
    %add3A_194 = arith.constant 245760 : i32
    %add3A_195 = arith.addi %add3A_194, %mul3A_2 : i32
    %dma_start3A_196 = arith.constant 7680 : i32
    %dma_start3A_197 = tpu.memref_slice %arg4[%dma_start3A_196] : memref<10240xf32, #tpu.memory_space<vmem>> -> memref<320xf32, #tpu.memory_space<vmem>>
    %dma_start3A_198 = tpu.memref_slice %arg2[%add3A_195] : memref<327680xf32, #tpu.memory_space<hbm>> -> memref<320xf32, #tpu.memory_space<hbm>>
    %dma_start3A_199 = arith.constant 7680 : i32
    %dma_start3A_200 = tpu.memref_slice %arg4[%dma_start3A_199] : memref<10240xf32, #tpu.memory_space<vmem>> -> memref<320xf32, #tpu.memory_space<vmem>>
    %dma_start3A_201 = tpu.memref_slice %arg2[%add3A_195] : memref<327680xf32, #tpu.memory_space<hbm>> -> memref<320xf32, #tpu.memory_space<hbm>>
    tpu.enqueue_dma source(%dma_start3A_201 : memref<320xf32, #tpu.memory_space<hbm>>) target(%dma_start3A_200 : memref<320xf32, #tpu.memory_space<vmem>>) target_semaphore(%arg6 : memref<!tpu.dma_semaphore, #tpu.memory_space<semaphore_mem>>)
    %add3A_202 = arith.constant 256000 : i32
    %add3A_203 = arith.addi %add3A_202, %mul3A_2 : i32
    %dma_start3A_204 = arith.constant 8000 : i32
    %dma_start3A_205 = tpu.memref_slice %arg4[%dma_start3A_204] : memref<10240xf32, #tpu.memory_space<vmem>> -> memref<320xf32, #tpu.memory_space<vmem>>
    %dma_start3A_206 = tpu.memref_slice %arg2[%add3A_203] : memref<327680xf32, #tpu.memory_space<hbm>> -> memref<320xf32, #tpu.memory_space<hbm>>
    %dma_start3A_207 = arith.constant 8000 : i32
    %dma_start3A_208 = tpu.memref_slice %arg4[%dma_start3A_207] : memref<10240xf32, #tpu.memory_space<vmem>> -> memref<320xf32, #tpu.memory_space<vmem>>
    %dma_start3A_209 = tpu.memref_slice %arg2[%add3A_203] : memref<327680xf32, #tpu.memory_space<hbm>> -> memref<320xf32, #tpu.memory_space<hbm>>
    tpu.enqueue_dma source(%dma_start3A_209 : memref<320xf32, #tpu.memory_space<hbm>>) target(%dma_start3A_208 : memref<320xf32, #tpu.memory_space<vmem>>) target_semaphore(%arg6 : memref<!tpu.dma_semaphore, #tpu.memory_space<semaphore_mem>>)
    %add3A_210 = arith.constant 266240 : i32
    %add3A_211 = arith.addi %add3A_210, %mul3A_2 : i32
    %dma_start3A_212 = arith.constant 8320 : i32
    %dma_start3A_213 = tpu.memref_slice %arg4[%dma_start3A_212] : memref<10240xf32, #tpu.memory_space<vmem>> -> memref<320xf32, #tpu.memory_space<vmem>>
    %dma_start3A_214 = tpu.memref_slice %arg2[%add3A_211] : memref<327680xf32, #tpu.memory_space<hbm>> -> memref<320xf32, #tpu.memory_space<hbm>>
    %dma_start3A_215 = arith.constant 8320 : i32
    %dma_start3A_216 = tpu.memref_slice %arg4[%dma_start3A_215] : memref<10240xf32, #tpu.memory_space<vmem>> -> memref<320xf32, #tpu.memory_space<vmem>>
    %dma_start3A_217 = tpu.memref_slice %arg2[%add3A_211] : memref<327680xf32, #tpu.memory_space<hbm>> -> memref<320xf32, #tpu.memory_space<hbm>>
    tpu.enqueue_dma source(%dma_start3A_217 : memref<320xf32, #tpu.memory_space<hbm>>) target(%dma_start3A_216 : memref<320xf32, #tpu.memory_space<vmem>>) target_semaphore(%arg6 : memref<!tpu.dma_semaphore, #tpu.memory_space<semaphore_mem>>)
    %add3A_218 = arith.constant 276480 : i32
    %add3A_219 = arith.addi %add3A_218, %mul3A_2 : i32
    %dma_start3A_220 = arith.constant 8640 : i32
    %dma_start3A_221 = tpu.memref_slice %arg4[%dma_start3A_220] : memref<10240xf32, #tpu.memory_space<vmem>> -> memref<320xf32, #tpu.memory_space<vmem>>
    %dma_start3A_222 = tpu.memref_slice %arg2[%add3A_219] : memref<327680xf32, #tpu.memory_space<hbm>> -> memref<320xf32, #tpu.memory_space<hbm>>
    %dma_start3A_223 = arith.constant 8640 : i32
    %dma_start3A_224 = tpu.memref_slice %arg4[%dma_start3A_223] : memref<10240xf32, #tpu.memory_space<vmem>> -> memref<320xf32, #tpu.memory_space<vmem>>
    %dma_start3A_225 = tpu.memref_slice %arg2[%add3A_219] : memref<327680xf32, #tpu.memory_space<hbm>> -> memref<320xf32, #tpu.memory_space<hbm>>
    tpu.enqueue_dma source(%dma_start3A_225 : memref<320xf32, #tpu.memory_space<hbm>>) target(%dma_start3A_224 : memref<320xf32, #tpu.memory_space<vmem>>) target_semaphore(%arg6 : memref<!tpu.dma_semaphore, #tpu.memory_space<semaphore_mem>>)
    %add3A_226 = arith.constant 286720 : i32
    %add3A_227 = arith.addi %add3A_226, %mul3A_2 : i32
    %dma_start3A_228 = arith.constant 8960 : i32
    %dma_start3A_229 = tpu.memref_slice %arg4[%dma_start3A_228] : memref<10240xf32, #tpu.memory_space<vmem>> -> memref<320xf32, #tpu.memory_space<vmem>>
    %dma_start3A_230 = tpu.memref_slice %arg2[%add3A_227] : memref<327680xf32, #tpu.memory_space<hbm>> -> memref<320xf32, #tpu.memory_space<hbm>>
    %dma_start3A_231 = arith.constant 8960 : i32
    %dma_start3A_232 = tpu.memref_slice %arg4[%dma_start3A_231] : memref<10240xf32, #tpu.memory_space<vmem>> -> memref<320xf32, #tpu.memory_space<vmem>>
    %dma_start3A_233 = tpu.memref_slice %arg2[%add3A_227] : memref<327680xf32, #tpu.memory_space<hbm>> -> memref<320xf32, #tpu.memory_space<hbm>>
    tpu.enqueue_dma source(%dma_start3A_233 : memref<320xf32, #tpu.memory_space<hbm>>) target(%dma_start3A_232 : memref<320xf32, #tpu.memory_space<vmem>>) target_semaphore(%arg6 : memref<!tpu.dma_semaphore, #tpu.memory_space<semaphore_mem>>)
    %add3A_234 = arith.constant 296960 : i32
    %add3A_235 = arith.addi %add3A_234, %mul3A_2 : i32
    %dma_start3A_236 = arith.constant 9280 : i32
    %dma_start3A_237 = tpu.memref_slice %arg4[%dma_start3A_236] : memref<10240xf32, #tpu.memory_space<vmem>> -> memref<320xf32, #tpu.memory_space<vmem>>
    %dma_start3A_238 = tpu.memref_slice %arg2[%add3A_235] : memref<327680xf32, #tpu.memory_space<hbm>> -> memref<320xf32, #tpu.memory_space<hbm>>
    %dma_start3A_239 = arith.constant 9280 : i32
    %dma_start3A_240 = tpu.memref_slice %arg4[%dma_start3A_239] : memref<10240xf32, #tpu.memory_space<vmem>> -> memref<320xf32, #tpu.memory_space<vmem>>
    %dma_start3A_241 = tpu.memref_slice %arg2[%add3A_235] : memref<327680xf32, #tpu.memory_space<hbm>> -> memref<320xf32, #tpu.memory_space<hbm>>
    tpu.enqueue_dma source(%dma_start3A_241 : memref<320xf32, #tpu.memory_space<hbm>>) target(%dma_start3A_240 : memref<320xf32, #tpu.memory_space<vmem>>) target_semaphore(%arg6 : memref<!tpu.dma_semaphore, #tpu.memory_space<semaphore_mem>>)
    %add3A_242 = arith.constant 307200 : i32
    %add3A_243 = arith.addi %add3A_242, %mul3A_2 : i32
    %dma_start3A_244 = arith.constant 9600 : i32
    %dma_start3A_245 = tpu.memref_slice %arg4[%dma_start3A_244] : memref<10240xf32, #tpu.memory_space<vmem>> -> memref<320xf32, #tpu.memory_space<vmem>>
    %dma_start3A_246 = tpu.memref_slice %arg2[%add3A_243] : memref<327680xf32, #tpu.memory_space<hbm>> -> memref<320xf32, #tpu.memory_space<hbm>>
    %dma_start3A_247 = arith.constant 9600 : i32
    %dma_start3A_248 = tpu.memref_slice %arg4[%dma_start3A_247] : memref<10240xf32, #tpu.memory_space<vmem>> -> memref<320xf32, #tpu.memory_space<vmem>>
    %dma_start3A_249 = tpu.memref_slice %arg2[%add3A_243] : memref<327680xf32, #tpu.memory_space<hbm>> -> memref<320xf32, #tpu.memory_space<hbm>>
    tpu.enqueue_dma source(%dma_start3A_249 : memref<320xf32, #tpu.memory_space<hbm>>) target(%dma_start3A_248 : memref<320xf32, #tpu.memory_space<vmem>>) target_semaphore(%arg6 : memref<!tpu.dma_semaphore, #tpu.memory_space<semaphore_mem>>)
    %add3A_250 = arith.constant 317440 : i32
    %add3A_251 = arith.addi %add3A_250, %mul3A_2 : i32
    %dma_start3A_252 = arith.constant 9920 : i32
    %dma_start3A_253 = tpu.memref_slice %arg4[%dma_start3A_252] : memref<10240xf32, #tpu.memory_space<vmem>> -> memref<320xf32, #tpu.memory_space<vmem>>
    %dma_start3A_254 = tpu.memref_slice %arg2[%add3A_251] : memref<327680xf32, #tpu.memory_space<hbm>> -> memref<320xf32, #tpu.memory_space<hbm>>
    %dma_start3A_255 = arith.constant 9920 : i32
    %dma_start3A_256 = tpu.memref_slice %arg4[%dma_start3A_255] : memref<10240xf32, #tpu.memory_space<vmem>> -> memref<320xf32, #tpu.memory_space<vmem>>
    %dma_start3A_257 = tpu.memref_slice %arg2[%add3A_251] : memref<327680xf32, #tpu.memory_space<hbm>> -> memref<320xf32, #tpu.memory_space<hbm>>
    tpu.enqueue_dma source(%dma_start3A_257 : memref<320xf32, #tpu.memory_space<hbm>>) target(%dma_start3A_256 : memref<320xf32, #tpu.memory_space<vmem>>) target_semaphore(%arg6 : memref<!tpu.dma_semaphore, #tpu.memory_space<semaphore_mem>>)
    %dma_wait3A = arith.constant 0 : i32
    %dma_wait3A_258 = tpu.memref_slice %arg4[%dma_wait3A] : memref<10240xf32, #tpu.memory_space<vmem>> -> memref<320xf32, #tpu.memory_space<vmem>>
    %dma_wait3A_259 = tpu.memref_slice %arg2[%add3A_4] : memref<327680xf32, #tpu.memory_space<hbm>> -> memref<320xf32, #tpu.memory_space<hbm>>
    %dma_wait3A_260 = arith.constant 0 : i32
    %dma_wait3A_261 = tpu.memref_slice %arg4[%dma_wait3A_260] : memref<10240xf32, #tpu.memory_space<vmem>> -> memref<320xf32, #tpu.memory_space<vmem>>
    %dma_wait3A_262 = tpu.memref_slice %arg2[%add3A_4] : memref<327680xf32, #tpu.memory_space<hbm>> -> memref<320xf32, #tpu.memory_space<hbm>>
    tpu.wait_dma2 semaphore(%arg6 : memref<!tpu.dma_semaphore, #tpu.memory_space<semaphore_mem>>) src(%dma_wait3A_262 : memref<320xf32, #tpu.memory_space<hbm>>) dst(%dma_wait3A_261 : memref<320xf32, #tpu.memory_space<vmem>>)
    %dma_wait3A_263 = arith.constant 320 : i32
    %dma_wait3A_264 = tpu.memref_slice %arg4[%dma_wait3A_263] : memref<10240xf32, #tpu.memory_space<vmem>> -> memref<320xf32, #tpu.memory_space<vmem>>
    %dma_wait3A_265 = tpu.memref_slice %arg2[%add3A_11] : memref<327680xf32, #tpu.memory_space<hbm>> -> memref<320xf32, #tpu.memory_space<hbm>>
    %dma_wait3A_266 = arith.constant 320 : i32
    %dma_wait3A_267 = tpu.memref_slice %arg4[%dma_wait3A_266] : memref<10240xf32, #tpu.memory_space<vmem>> -> memref<320xf32, #tpu.memory_space<vmem>>
    %dma_wait3A_268 = tpu.memref_slice %arg2[%add3A_11] : memref<327680xf32, #tpu.memory_space<hbm>> -> memref<320xf32, #tpu.memory_space<hbm>>
    tpu.wait_dma2 semaphore(%arg6 : memref<!tpu.dma_semaphore, #tpu.memory_space<semaphore_mem>>) src(%dma_wait3A_268 : memref<320xf32, #tpu.memory_space<hbm>>) dst(%dma_wait3A_267 : memref<320xf32, #tpu.memory_space<vmem>>)
    %dma_wait3A_269 = arith.constant 640 : i32
    %dma_wait3A_270 = tpu.memref_slice %arg4[%dma_wait3A_269] : memref<10240xf32, #tpu.memory_space<vmem>> -> memref<320xf32, #tpu.memory_space<vmem>>
    %dma_wait3A_271 = tpu.memref_slice %arg2[%add3A_19] : memref<327680xf32, #tpu.memory_space<hbm>> -> memref<320xf32, #tpu.memory_space<hbm>>
    %dma_wait3A_272 = arith.constant 640 : i32
    %dma_wait3A_273 = tpu.memref_slice %arg4[%dma_wait3A_272] : memref<10240xf32, #tpu.memory_space<vmem>> -> memref<320xf32, #tpu.memory_space<vmem>>
    %dma_wait3A_274 = tpu.memref_slice %arg2[%add3A_19] : memref<327680xf32, #tpu.memory_space<hbm>> -> memref<320xf32, #tpu.memory_space<hbm>>
    tpu.wait_dma2 semaphore(%arg6 : memref<!tpu.dma_semaphore, #tpu.memory_space<semaphore_mem>>) src(%dma_wait3A_274 : memref<320xf32, #tpu.memory_space<hbm>>) dst(%dma_wait3A_273 : memref<320xf32, #tpu.memory_space<vmem>>)
    %dma_wait3A_275 = arith.constant 960 : i32
    %dma_wait3A_276 = tpu.memref_slice %arg4[%dma_wait3A_275] : memref<10240xf32, #tpu.memory_space<vmem>> -> memref<320xf32, #tpu.memory_space<vmem>>
    %dma_wait3A_277 = tpu.memref_slice %arg2[%add3A_27] : memref<327680xf32, #tpu.memory_space<hbm>> -> memref<320xf32, #tpu.memory_space<hbm>>
    %dma_wait3A_278 = arith.constant 960 : i32
    %dma_wait3A_279 = tpu.memref_slice %arg4[%dma_wait3A_278] : memref<10240xf32, #tpu.memory_space<vmem>> -> memref<320xf32, #tpu.memory_space<vmem>>
    %dma_wait3A_280 = tpu.memref_slice %arg2[%add3A_27] : memref<327680xf32, #tpu.memory_space<hbm>> -> memref<320xf32, #tpu.memory_space<hbm>>
    tpu.wait_dma2 semaphore(%arg6 : memref<!tpu.dma_semaphore, #tpu.memory_space<semaphore_mem>>) src(%dma_wait3A_280 : memref<320xf32, #tpu.memory_space<hbm>>) dst(%dma_wait3A_279 : memref<320xf32, #tpu.memory_space<vmem>>)
    %dma_wait3A_281 = arith.constant 1280 : i32
    %dma_wait3A_282 = tpu.memref_slice %arg4[%dma_wait3A_281] : memref<10240xf32, #tpu.memory_space<vmem>> -> memref<320xf32, #tpu.memory_space<vmem>>
    %dma_wait3A_283 = tpu.memref_slice %arg2[%add3A_35] : memref<327680xf32, #tpu.memory_space<hbm>> -> memref<320xf32, #tpu.memory_space<hbm>>
    %dma_wait3A_284 = arith.constant 1280 : i32
    %dma_wait3A_285 = tpu.memref_slice %arg4[%dma_wait3A_284] : memref<10240xf32, #tpu.memory_space<vmem>> -> memref<320xf32, #tpu.memory_space<vmem>>
    %dma_wait3A_286 = tpu.memref_slice %arg2[%add3A_35] : memref<327680xf32, #tpu.memory_space<hbm>> -> memref<320xf32, #tpu.memory_space<hbm>>
    tpu.wait_dma2 semaphore(%arg6 : memref<!tpu.dma_semaphore, #tpu.memory_space<semaphore_mem>>) src(%dma_wait3A_286 : memref<320xf32, #tpu.memory_space<hbm>>) dst(%dma_wait3A_285 : memref<320xf32, #tpu.memory_space<vmem>>)
    %dma_wait3A_287 = arith.constant 1600 : i32
    %dma_wait3A_288 = tpu.memref_slice %arg4[%dma_wait3A_287] : memref<10240xf32, #tpu.memory_space<vmem>> -> memref<320xf32, #tpu.memory_space<vmem>>
    %dma_wait3A_289 = tpu.memref_slice %arg2[%add3A_43] : memref<327680xf32, #tpu.memory_space<hbm>> -> memref<320xf32, #tpu.memory_space<hbm>>
    %dma_wait3A_290 = arith.constant 1600 : i32
    %dma_wait3A_291 = tpu.memref_slice %arg4[%dma_wait3A_290] : memref<10240xf32, #tpu.memory_space<vmem>> -> memref<320xf32, #tpu.memory_space<vmem>>
    %dma_wait3A_292 = tpu.memref_slice %arg2[%add3A_43] : memref<327680xf32, #tpu.memory_space<hbm>> -> memref<320xf32, #tpu.memory_space<hbm>>
    tpu.wait_dma2 semaphore(%arg6 : memref<!tpu.dma_semaphore, #tpu.memory_space<semaphore_mem>>) src(%dma_wait3A_292 : memref<320xf32, #tpu.memory_space<hbm>>) dst(%dma_wait3A_291 : memref<320xf32, #tpu.memory_space<vmem>>)
    %dma_wait3A_293 = arith.constant 1920 : i32
    %dma_wait3A_294 = tpu.memref_slice %arg4[%dma_wait3A_293] : memref<10240xf32, #tpu.memory_space<vmem>> -> memref<320xf32, #tpu.memory_space<vmem>>
    %dma_wait3A_295 = tpu.memref_slice %arg2[%add3A_51] : memref<327680xf32, #tpu.memory_space<hbm>> -> memref<320xf32, #tpu.memory_space<hbm>>
    %dma_wait3A_296 = arith.constant 1920 : i32
    %dma_wait3A_297 = tpu.memref_slice %arg4[%dma_wait3A_296] : memref<10240xf32, #tpu.memory_space<vmem>> -> memref<320xf32, #tpu.memory_space<vmem>>
    %dma_wait3A_298 = tpu.memref_slice %arg2[%add3A_51] : memref<327680xf32, #tpu.memory_space<hbm>> -> memref<320xf32, #tpu.memory_space<hbm>>
    tpu.wait_dma2 semaphore(%arg6 : memref<!tpu.dma_semaphore, #tpu.memory_space<semaphore_mem>>) src(%dma_wait3A_298 : memref<320xf32, #tpu.memory_space<hbm>>) dst(%dma_wait3A_297 : memref<320xf32, #tpu.memory_space<vmem>>)
    %dma_wait3A_299 = arith.constant 2240 : i32
    %dma_wait3A_300 = tpu.memref_slice %arg4[%dma_wait3A_299] : memref<10240xf32, #tpu.memory_space<vmem>> -> memref<320xf32, #tpu.memory_space<vmem>>
    %dma_wait3A_301 = tpu.memref_slice %arg2[%add3A_59] : memref<327680xf32, #tpu.memory_space<hbm>> -> memref<320xf32, #tpu.memory_space<hbm>>
    %dma_wait3A_302 = arith.constant 2240 : i32
    %dma_wait3A_303 = tpu.memref_slice %arg4[%dma_wait3A_302] : memref<10240xf32, #tpu.memory_space<vmem>> -> memref<320xf32, #tpu.memory_space<vmem>>
    %dma_wait3A_304 = tpu.memref_slice %arg2[%add3A_59] : memref<327680xf32, #tpu.memory_space<hbm>> -> memref<320xf32, #tpu.memory_space<hbm>>
    tpu.wait_dma2 semaphore(%arg6 : memref<!tpu.dma_semaphore, #tpu.memory_space<semaphore_mem>>) src(%dma_wait3A_304 : memref<320xf32, #tpu.memory_space<hbm>>) dst(%dma_wait3A_303 : memref<320xf32, #tpu.memory_space<vmem>>)
    %dma_wait3A_305 = arith.constant 2560 : i32
    %dma_wait3A_306 = tpu.memref_slice %arg4[%dma_wait3A_305] : memref<10240xf32, #tpu.memory_space<vmem>> -> memref<320xf32, #tpu.memory_space<vmem>>
    %dma_wait3A_307 = tpu.memref_slice %arg2[%add3A_67] : memref<327680xf32, #tpu.memory_space<hbm>> -> memref<320xf32, #tpu.memory_space<hbm>>
    %dma_wait3A_308 = arith.constant 2560 : i32
    %dma_wait3A_309 = tpu.memref_slice %arg4[%dma_wait3A_308] : memref<10240xf32, #tpu.memory_space<vmem>> -> memref<320xf32, #tpu.memory_space<vmem>>
    %dma_wait3A_310 = tpu.memref_slice %arg2[%add3A_67] : memref<327680xf32, #tpu.memory_space<hbm>> -> memref<320xf32, #tpu.memory_space<hbm>>
    tpu.wait_dma2 semaphore(%arg6 : memref<!tpu.dma_semaphore, #tpu.memory_space<semaphore_mem>>) src(%dma_wait3A_310 : memref<320xf32, #tpu.memory_space<hbm>>) dst(%dma_wait3A_309 : memref<320xf32, #tpu.memory_space<vmem>>)
    %dma_wait3A_311 = arith.constant 2880 : i32
    %dma_wait3A_312 = tpu.memref_slice %arg4[%dma_wait3A_311] : memref<10240xf32, #tpu.memory_space<vmem>> -> memref<320xf32, #tpu.memory_space<vmem>>
    %dma_wait3A_313 = tpu.memref_slice %arg2[%add3A_75] : memref<327680xf32, #tpu.memory_space<hbm>> -> memref<320xf32, #tpu.memory_space<hbm>>
    %dma_wait3A_314 = arith.constant 2880 : i32
    %dma_wait3A_315 = tpu.memref_slice %arg4[%dma_wait3A_314] : memref<10240xf32, #tpu.memory_space<vmem>> -> memref<320xf32, #tpu.memory_space<vmem>>
    %dma_wait3A_316 = tpu.memref_slice %arg2[%add3A_75] : memref<327680xf32, #tpu.memory_space<hbm>> -> memref<320xf32, #tpu.memory_space<hbm>>
    tpu.wait_dma2 semaphore(%arg6 : memref<!tpu.dma_semaphore, #tpu.memory_space<semaphore_mem>>) src(%dma_wait3A_316 : memref<320xf32, #tpu.memory_space<hbm>>) dst(%dma_wait3A_315 : memref<320xf32, #tpu.memory_space<vmem>>)
    %dma_wait3A_317 = arith.constant 3200 : i32
    %dma_wait3A_318 = tpu.memref_slice %arg4[%dma_wait3A_317] : memref<10240xf32, #tpu.memory_space<vmem>> -> memref<320xf32, #tpu.memory_space<vmem>>
    %dma_wait3A_319 = tpu.memref_slice %arg2[%add3A_83] : memref<327680xf32, #tpu.memory_space<hbm>> -> memref<320xf32, #tpu.memory_space<hbm>>
    %dma_wait3A_320 = arith.constant 3200 : i32
    %dma_wait3A_321 = tpu.memref_slice %arg4[%dma_wait3A_320] : memref<10240xf32, #tpu.memory_space<vmem>> -> memref<320xf32, #tpu.memory_space<vmem>>
    %dma_wait3A_322 = tpu.memref_slice %arg2[%add3A_83] : memref<327680xf32, #tpu.memory_space<hbm>> -> memref<320xf32, #tpu.memory_space<hbm>>
    tpu.wait_dma2 semaphore(%arg6 : memref<!tpu.dma_semaphore, #tpu.memory_space<semaphore_mem>>) src(%dma_wait3A_322 : memref<320xf32, #tpu.memory_space<hbm>>) dst(%dma_wait3A_321 : memref<320xf32, #tpu.memory_space<vmem>>)
    %dma_wait3A_323 = arith.constant 3520 : i32
    %dma_wait3A_324 = tpu.memref_slice %arg4[%dma_wait3A_323] : memref<10240xf32, #tpu.memory_space<vmem>> -> memref<320xf32, #tpu.memory_space<vmem>>
    %dma_wait3A_325 = tpu.memref_slice %arg2[%add3A_91] : memref<327680xf32, #tpu.memory_space<hbm>> -> memref<320xf32, #tpu.memory_space<hbm>>
    %dma_wait3A_326 = arith.constant 3520 : i32
    %dma_wait3A_327 = tpu.memref_slice %arg4[%dma_wait3A_326] : memref<10240xf32, #tpu.memory_space<vmem>> -> memref<320xf32, #tpu.memory_space<vmem>>
    %dma_wait3A_328 = tpu.memref_slice %arg2[%add3A_91] : memref<327680xf32, #tpu.memory_space<hbm>> -> memref<320xf32, #tpu.memory_space<hbm>>
    tpu.wait_dma2 semaphore(%arg6 : memref<!tpu.dma_semaphore, #tpu.memory_space<semaphore_mem>>) src(%dma_wait3A_328 : memref<320xf32, #tpu.memory_space<hbm>>) dst(%dma_wait3A_327 : memref<320xf32, #tpu.memory_space<vmem>>)
    %dma_wait3A_329 = arith.constant 3840 : i32
    %dma_wait3A_330 = tpu.memref_slice %arg4[%dma_wait3A_329] : memref<10240xf32, #tpu.memory_space<vmem>> -> memref<320xf32, #tpu.memory_space<vmem>>
    %dma_wait3A_331 = tpu.memref_slice %arg2[%add3A_99] : memref<327680xf32, #tpu.memory_space<hbm>> -> memref<320xf32, #tpu.memory_space<hbm>>
    %dma_wait3A_332 = arith.constant 3840 : i32
    %dma_wait3A_333 = tpu.memref_slice %arg4[%dma_wait3A_332] : memref<10240xf32, #tpu.memory_space<vmem>> -> memref<320xf32, #tpu.memory_space<vmem>>
    %dma_wait3A_334 = tpu.memref_slice %arg2[%add3A_99] : memref<327680xf32, #tpu.memory_space<hbm>> -> memref<320xf32, #tpu.memory_space<hbm>>
    tpu.wait_dma2 semaphore(%arg6 : memref<!tpu.dma_semaphore, #tpu.memory_space<semaphore_mem>>) src(%dma_wait3A_334 : memref<320xf32, #tpu.memory_space<hbm>>) dst(%dma_wait3A_333 : memref<320xf32, #tpu.memory_space<vmem>>)
    %dma_wait3A_335 = arith.constant 4160 : i32
    %dma_wait3A_336 = tpu.memref_slice %arg4[%dma_wait3A_335] : memref<10240xf32, #tpu.memory_space<vmem>> -> memref<320xf32, #tpu.memory_space<vmem>>
    %dma_wait3A_337 = tpu.memref_slice %arg2[%add3A_107] : memref<327680xf32, #tpu.memory_space<hbm>> -> memref<320xf32, #tpu.memory_space<hbm>>
    %dma_wait3A_338 = arith.constant 4160 : i32
    %dma_wait3A_339 = tpu.memref_slice %arg4[%dma_wait3A_338] : memref<10240xf32, #tpu.memory_space<vmem>> -> memref<320xf32, #tpu.memory_space<vmem>>
    %dma_wait3A_340 = tpu.memref_slice %arg2[%add3A_107] : memref<327680xf32, #tpu.memory_space<hbm>> -> memref<320xf32, #tpu.memory_space<hbm>>
    tpu.wait_dma2 semaphore(%arg6 : memref<!tpu.dma_semaphore, #tpu.memory_space<semaphore_mem>>) src(%dma_wait3A_340 : memref<320xf32, #tpu.memory_space<hbm>>) dst(%dma_wait3A_339 : memref<320xf32, #tpu.memory_space<vmem>>)
    %dma_wait3A_341 = arith.constant 4480 : i32
    %dma_wait3A_342 = tpu.memref_slice %arg4[%dma_wait3A_341] : memref<10240xf32, #tpu.memory_space<vmem>> -> memref<320xf32, #tpu.memory_space<vmem>>
    %dma_wait3A_343 = tpu.memref_slice %arg2[%add3A_115] : memref<327680xf32, #tpu.memory_space<hbm>> -> memref<320xf32, #tpu.memory_space<hbm>>
    %dma_wait3A_344 = arith.constant 4480 : i32
    %dma_wait3A_345 = tpu.memref_slice %arg4[%dma_wait3A_344] : memref<10240xf32, #tpu.memory_space<vmem>> -> memref<320xf32, #tpu.memory_space<vmem>>
    %dma_wait3A_346 = tpu.memref_slice %arg2[%add3A_115] : memref<327680xf32, #tpu.memory_space<hbm>> -> memref<320xf32, #tpu.memory_space<hbm>>
    tpu.wait_dma2 semaphore(%arg6 : memref<!tpu.dma_semaphore, #tpu.memory_space<semaphore_mem>>) src(%dma_wait3A_346 : memref<320xf32, #tpu.memory_space<hbm>>) dst(%dma_wait3A_345 : memref<320xf32, #tpu.memory_space<vmem>>)
    %dma_wait3A_347 = arith.constant 4800 : i32
    %dma_wait3A_348 = tpu.memref_slice %arg4[%dma_wait3A_347] : memref<10240xf32, #tpu.memory_space<vmem>> -> memref<320xf32, #tpu.memory_space<vmem>>
    %dma_wait3A_349 = tpu.memref_slice %arg2[%add3A_123] : memref<327680xf32, #tpu.memory_space<hbm>> -> memref<320xf32, #tpu.memory_space<hbm>>
    %dma_wait3A_350 = arith.constant 4800 : i32
    %dma_wait3A_351 = tpu.memref_slice %arg4[%dma_wait3A_350] : memref<10240xf32, #tpu.memory_space<vmem>> -> memref<320xf32, #tpu.memory_space<vmem>>
    %dma_wait3A_352 = tpu.memref_slice %arg2[%add3A_123] : memref<327680xf32, #tpu.memory_space<hbm>> -> memref<320xf32, #tpu.memory_space<hbm>>
    tpu.wait_dma2 semaphore(%arg6 : memref<!tpu.dma_semaphore, #tpu.memory_space<semaphore_mem>>) src(%dma_wait3A_352 : memref<320xf32, #tpu.memory_space<hbm>>) dst(%dma_wait3A_351 : memref<320xf32, #tpu.memory_space<vmem>>)
    %dma_wait3A_353 = arith.constant 5120 : i32
    %dma_wait3A_354 = tpu.memref_slice %arg4[%dma_wait3A_353] : memref<10240xf32, #tpu.memory_space<vmem>> -> memref<320xf32, #tpu.memory_space<vmem>>
    %dma_wait3A_355 = tpu.memref_slice %arg2[%add3A_131] : memref<327680xf32, #tpu.memory_space<hbm>> -> memref<320xf32, #tpu.memory_space<hbm>>
    %dma_wait3A_356 = arith.constant 5120 : i32
    %dma_wait3A_357 = tpu.memref_slice %arg4[%dma_wait3A_356] : memref<10240xf32, #tpu.memory_space<vmem>> -> memref<320xf32, #tpu.memory_space<vmem>>
    %dma_wait3A_358 = tpu.memref_slice %arg2[%add3A_131] : memref<327680xf32, #tpu.memory_space<hbm>> -> memref<320xf32, #tpu.memory_space<hbm>>
    tpu.wait_dma2 semaphore(%arg6 : memref<!tpu.dma_semaphore, #tpu.memory_space<semaphore_mem>>) src(%dma_wait3A_358 : memref<320xf32, #tpu.memory_space<hbm>>) dst(%dma_wait3A_357 : memref<320xf32, #tpu.memory_space<vmem>>)
    %dma_wait3A_359 = arith.constant 5440 : i32
    %dma_wait3A_360 = tpu.memref_slice %arg4[%dma_wait3A_359] : memref<10240xf32, #tpu.memory_space<vmem>> -> memref<320xf32, #tpu.memory_space<vmem>>
    %dma_wait3A_361 = tpu.memref_slice %arg2[%add3A_139] : memref<327680xf32, #tpu.memory_space<hbm>> -> memref<320xf32, #tpu.memory_space<hbm>>
    %dma_wait3A_362 = arith.constant 5440 : i32
    %dma_wait3A_363 = tpu.memref_slice %arg4[%dma_wait3A_362] : memref<10240xf32, #tpu.memory_space<vmem>> -> memref<320xf32, #tpu.memory_space<vmem>>
    %dma_wait3A_364 = tpu.memref_slice %arg2[%add3A_139] : memref<327680xf32, #tpu.memory_space<hbm>> -> memref<320xf32, #tpu.memory_space<hbm>>
    tpu.wait_dma2 semaphore(%arg6 : memref<!tpu.dma_semaphore, #tpu.memory_space<semaphore_mem>>) src(%dma_wait3A_364 : memref<320xf32, #tpu.memory_space<hbm>>) dst(%dma_wait3A_363 : memref<320xf32, #tpu.memory_space<vmem>>)
    %dma_wait3A_365 = arith.constant 5760 : i32
    %dma_wait3A_366 = tpu.memref_slice %arg4[%dma_wait3A_365] : memref<10240xf32, #tpu.memory_space<vmem>> -> memref<320xf32, #tpu.memory_space<vmem>>
    %dma_wait3A_367 = tpu.memref_slice %arg2[%add3A_147] : memref<327680xf32, #tpu.memory_space<hbm>> -> memref<320xf32, #tpu.memory_space<hbm>>
    %dma_wait3A_368 = arith.constant 5760 : i32
    %dma_wait3A_369 = tpu.memref_slice %arg4[%dma_wait3A_368] : memref<10240xf32, #tpu.memory_space<vmem>> -> memref<320xf32, #tpu.memory_space<vmem>>
    %dma_wait3A_370 = tpu.memref_slice %arg2[%add3A_147] : memref<327680xf32, #tpu.memory_space<hbm>> -> memref<320xf32, #tpu.memory_space<hbm>>
    tpu.wait_dma2 semaphore(%arg6 : memref<!tpu.dma_semaphore, #tpu.memory_space<semaphore_mem>>) src(%dma_wait3A_370 : memref<320xf32, #tpu.memory_space<hbm>>) dst(%dma_wait3A_369 : memref<320xf32, #tpu.memory_space<vmem>>)
    %dma_wait3A_371 = arith.constant 6080 : i32
    %dma_wait3A_372 = tpu.memref_slice %arg4[%dma_wait3A_371] : memref<10240xf32, #tpu.memory_space<vmem>> -> memref<320xf32, #tpu.memory_space<vmem>>
    %dma_wait3A_373 = tpu.memref_slice %arg2[%add3A_155] : memref<327680xf32, #tpu.memory_space<hbm>> -> memref<320xf32, #tpu.memory_space<hbm>>
    %dma_wait3A_374 = arith.constant 6080 : i32
    %dma_wait3A_375 = tpu.memref_slice %arg4[%dma_wait3A_374] : memref<10240xf32, #tpu.memory_space<vmem>> -> memref<320xf32, #tpu.memory_space<vmem>>
    %dma_wait3A_376 = tpu.memref_slice %arg2[%add3A_155] : memref<327680xf32, #tpu.memory_space<hbm>> -> memref<320xf32, #tpu.memory_space<hbm>>
    tpu.wait_dma2 semaphore(%arg6 : memref<!tpu.dma_semaphore, #tpu.memory_space<semaphore_mem>>) src(%dma_wait3A_376 : memref<320xf32, #tpu.memory_space<hbm>>) dst(%dma_wait3A_375 : memref<320xf32, #tpu.memory_space<vmem>>)
    %dma_wait3A_377 = arith.constant 6400 : i32
    %dma_wait3A_378 = tpu.memref_slice %arg4[%dma_wait3A_377] : memref<10240xf32, #tpu.memory_space<vmem>> -> memref<320xf32, #tpu.memory_space<vmem>>
    %dma_wait3A_379 = tpu.memref_slice %arg2[%add3A_163] : memref<327680xf32, #tpu.memory_space<hbm>> -> memref<320xf32, #tpu.memory_space<hbm>>
    %dma_wait3A_380 = arith.constant 6400 : i32
    %dma_wait3A_381 = tpu.memref_slice %arg4[%dma_wait3A_380] : memref<10240xf32, #tpu.memory_space<vmem>> -> memref<320xf32, #tpu.memory_space<vmem>>
    %dma_wait3A_382 = tpu.memref_slice %arg2[%add3A_163] : memref<327680xf32, #tpu.memory_space<hbm>> -> memref<320xf32, #tpu.memory_space<hbm>>
    tpu.wait_dma2 semaphore(%arg6 : memref<!tpu.dma_semaphore, #tpu.memory_space<semaphore_mem>>) src(%dma_wait3A_382 : memref<320xf32, #tpu.memory_space<hbm>>) dst(%dma_wait3A_381 : memref<320xf32, #tpu.memory_space<vmem>>)
    %dma_wait3A_383 = arith.constant 6720 : i32
    %dma_wait3A_384 = tpu.memref_slice %arg4[%dma_wait3A_383] : memref<10240xf32, #tpu.memory_space<vmem>> -> memref<320xf32, #tpu.memory_space<vmem>>
    %dma_wait3A_385 = tpu.memref_slice %arg2[%add3A_171] : memref<327680xf32, #tpu.memory_space<hbm>> -> memref<320xf32, #tpu.memory_space<hbm>>
    %dma_wait3A_386 = arith.constant 6720 : i32
    %dma_wait3A_387 = tpu.memref_slice %arg4[%dma_wait3A_386] : memref<10240xf32, #tpu.memory_space<vmem>> -> memref<320xf32, #tpu.memory_space<vmem>>
    %dma_wait3A_388 = tpu.memref_slice %arg2[%add3A_171] : memref<327680xf32, #tpu.memory_space<hbm>> -> memref<320xf32, #tpu.memory_space<hbm>>
    tpu.wait_dma2 semaphore(%arg6 : memref<!tpu.dma_semaphore, #tpu.memory_space<semaphore_mem>>) src(%dma_wait3A_388 : memref<320xf32, #tpu.memory_space<hbm>>) dst(%dma_wait3A_387 : memref<320xf32, #tpu.memory_space<vmem>>)
    %dma_wait3A_389 = arith.constant 7040 : i32
    %dma_wait3A_390 = tpu.memref_slice %arg4[%dma_wait3A_389] : memref<10240xf32, #tpu.memory_space<vmem>> -> memref<320xf32, #tpu.memory_space<vmem>>
    %dma_wait3A_391 = tpu.memref_slice %arg2[%add3A_179] : memref<327680xf32, #tpu.memory_space<hbm>> -> memref<320xf32, #tpu.memory_space<hbm>>
    %dma_wait3A_392 = arith.constant 7040 : i32
    %dma_wait3A_393 = tpu.memref_slice %arg4[%dma_wait3A_392] : memref<10240xf32, #tpu.memory_space<vmem>> -> memref<320xf32, #tpu.memory_space<vmem>>
    %dma_wait3A_394 = tpu.memref_slice %arg2[%add3A_179] : memref<327680xf32, #tpu.memory_space<hbm>> -> memref<320xf32, #tpu.memory_space<hbm>>
    tpu.wait_dma2 semaphore(%arg6 : memref<!tpu.dma_semaphore, #tpu.memory_space<semaphore_mem>>) src(%dma_wait3A_394 : memref<320xf32, #tpu.memory_space<hbm>>) dst(%dma_wait3A_393 : memref<320xf32, #tpu.memory_space<vmem>>)
    %dma_wait3A_395 = arith.constant 7360 : i32
    %dma_wait3A_396 = tpu.memref_slice %arg4[%dma_wait3A_395] : memref<10240xf32, #tpu.memory_space<vmem>> -> memref<320xf32, #tpu.memory_space<vmem>>
    %dma_wait3A_397 = tpu.memref_slice %arg2[%add3A_187] : memref<327680xf32, #tpu.memory_space<hbm>> -> memref<320xf32, #tpu.memory_space<hbm>>
    %dma_wait3A_398 = arith.constant 7360 : i32
    %dma_wait3A_399 = tpu.memref_slice %arg4[%dma_wait3A_398] : memref<10240xf32, #tpu.memory_space<vmem>> -> memref<320xf32, #tpu.memory_space<vmem>>
    %dma_wait3A_400 = tpu.memref_slice %arg2[%add3A_187] : memref<327680xf32, #tpu.memory_space<hbm>> -> memref<320xf32, #tpu.memory_space<hbm>>
    tpu.wait_dma2 semaphore(%arg6 : memref<!tpu.dma_semaphore, #tpu.memory_space<semaphore_mem>>) src(%dma_wait3A_400 : memref<320xf32, #tpu.memory_space<hbm>>) dst(%dma_wait3A_399 : memref<320xf32, #tpu.memory_space<vmem>>)
    %dma_wait3A_401 = arith.constant 7680 : i32
    %dma_wait3A_402 = tpu.memref_slice %arg4[%dma_wait3A_401] : memref<10240xf32, #tpu.memory_space<vmem>> -> memref<320xf32, #tpu.memory_space<vmem>>
    %dma_wait3A_403 = tpu.memref_slice %arg2[%add3A_195] : memref<327680xf32, #tpu.memory_space<hbm>> -> memref<320xf32, #tpu.memory_space<hbm>>
    %dma_wait3A_404 = arith.constant 7680 : i32
    %dma_wait3A_405 = tpu.memref_slice %arg4[%dma_wait3A_404] : memref<10240xf32, #tpu.memory_space<vmem>> -> memref<320xf32, #tpu.memory_space<vmem>>
    %dma_wait3A_406 = tpu.memref_slice %arg2[%add3A_195] : memref<327680xf32, #tpu.memory_space<hbm>> -> memref<320xf32, #tpu.memory_space<hbm>>
    tpu.wait_dma2 semaphore(%arg6 : memref<!tpu.dma_semaphore, #tpu.memory_space<semaphore_mem>>) src(%dma_wait3A_406 : memref<320xf32, #tpu.memory_space<hbm>>) dst(%dma_wait3A_405 : memref<320xf32, #tpu.memory_space<vmem>>)
    %dma_wait3A_407 = arith.constant 8000 : i32
    %dma_wait3A_408 = tpu.memref_slice %arg4[%dma_wait3A_407] : memref<10240xf32, #tpu.memory_space<vmem>> -> memref<320xf32, #tpu.memory_space<vmem>>
    %dma_wait3A_409 = tpu.memref_slice %arg2[%add3A_203] : memref<327680xf32, #tpu.memory_space<hbm>> -> memref<320xf32, #tpu.memory_space<hbm>>
    %dma_wait3A_410 = arith.constant 8000 : i32
    %dma_wait3A_411 = tpu.memref_slice %arg4[%dma_wait3A_410] : memref<10240xf32, #tpu.memory_space<vmem>> -> memref<320xf32, #tpu.memory_space<vmem>>
    %dma_wait3A_412 = tpu.memref_slice %arg2[%add3A_203] : memref<327680xf32, #tpu.memory_space<hbm>> -> memref<320xf32, #tpu.memory_space<hbm>>
    tpu.wait_dma2 semaphore(%arg6 : memref<!tpu.dma_semaphore, #tpu.memory_space<semaphore_mem>>) src(%dma_wait3A_412 : memref<320xf32, #tpu.memory_space<hbm>>) dst(%dma_wait3A_411 : memref<320xf32, #tpu.memory_space<vmem>>)
    %dma_wait3A_413 = arith.constant 8320 : i32
    %dma_wait3A_414 = tpu.memref_slice %arg4[%dma_wait3A_413] : memref<10240xf32, #tpu.memory_space<vmem>> -> memref<320xf32, #tpu.memory_space<vmem>>
    %dma_wait3A_415 = tpu.memref_slice %arg2[%add3A_211] : memref<327680xf32, #tpu.memory_space<hbm>> -> memref<320xf32, #tpu.memory_space<hbm>>
    %dma_wait3A_416 = arith.constant 8320 : i32
    %dma_wait3A_417 = tpu.memref_slice %arg4[%dma_wait3A_416] : memref<10240xf32, #tpu.memory_space<vmem>> -> memref<320xf32, #tpu.memory_space<vmem>>
    %dma_wait3A_418 = tpu.memref_slice %arg2[%add3A_211] : memref<327680xf32, #tpu.memory_space<hbm>> -> memref<320xf32, #tpu.memory_space<hbm>>
    tpu.wait_dma2 semaphore(%arg6 : memref<!tpu.dma_semaphore, #tpu.memory_space<semaphore_mem>>) src(%dma_wait3A_418 : memref<320xf32, #tpu.memory_space<hbm>>) dst(%dma_wait3A_417 : memref<320xf32, #tpu.memory_space<vmem>>)
    %dma_wait3A_419 = arith.constant 8640 : i32
    %dma_wait3A_420 = tpu.memref_slice %arg4[%dma_wait3A_419] : memref<10240xf32, #tpu.memory_space<vmem>> -> memref<320xf32, #tpu.memory_space<vmem>>
    %dma_wait3A_421 = tpu.memref_slice %arg2[%add3A_219] : memref<327680xf32, #tpu.memory_space<hbm>> -> memref<320xf32, #tpu.memory_space<hbm>>
    %dma_wait3A_422 = arith.constant 8640 : i32
    %dma_wait3A_423 = tpu.memref_slice %arg4[%dma_wait3A_422] : memref<10240xf32, #tpu.memory_space<vmem>> -> memref<320xf32, #tpu.memory_space<vmem>>
    %dma_wait3A_424 = tpu.memref_slice %arg2[%add3A_219] : memref<327680xf32, #tpu.memory_space<hbm>> -> memref<320xf32, #tpu.memory_space<hbm>>
    tpu.wait_dma2 semaphore(%arg6 : memref<!tpu.dma_semaphore, #tpu.memory_space<semaphore_mem>>) src(%dma_wait3A_424 : memref<320xf32, #tpu.memory_space<hbm>>) dst(%dma_wait3A_423 : memref<320xf32, #tpu.memory_space<vmem>>)
    %dma_wait3A_425 = arith.constant 8960 : i32
    %dma_wait3A_426 = tpu.memref_slice %arg4[%dma_wait3A_425] : memref<10240xf32, #tpu.memory_space<vmem>> -> memref<320xf32, #tpu.memory_space<vmem>>
    %dma_wait3A_427 = tpu.memref_slice %arg2[%add3A_227] : memref<327680xf32, #tpu.memory_space<hbm>> -> memref<320xf32, #tpu.memory_space<hbm>>
    %dma_wait3A_428 = arith.constant 8960 : i32
    %dma_wait3A_429 = tpu.memref_slice %arg4[%dma_wait3A_428] : memref<10240xf32, #tpu.memory_space<vmem>> -> memref<320xf32, #tpu.memory_space<vmem>>
    %dma_wait3A_430 = tpu.memref_slice %arg2[%add3A_227] : memref<327680xf32, #tpu.memory_space<hbm>> -> memref<320xf32, #tpu.memory_space<hbm>>
    tpu.wait_dma2 semaphore(%arg6 : memref<!tpu.dma_semaphore, #tpu.memory_space<semaphore_mem>>) src(%dma_wait3A_430 : memref<320xf32, #tpu.memory_space<hbm>>) dst(%dma_wait3A_429 : memref<320xf32, #tpu.memory_space<vmem>>)
    %dma_wait3A_431 = arith.constant 9280 : i32
    %dma_wait3A_432 = tpu.memref_slice %arg4[%dma_wait3A_431] : memref<10240xf32, #tpu.memory_space<vmem>> -> memref<320xf32, #tpu.memory_space<vmem>>
    %dma_wait3A_433 = tpu.memref_slice %arg2[%add3A_235] : memref<327680xf32, #tpu.memory_space<hbm>> -> memref<320xf32, #tpu.memory_space<hbm>>
    %dma_wait3A_434 = arith.constant 9280 : i32
    %dma_wait3A_435 = tpu.memref_slice %arg4[%dma_wait3A_434] : memref<10240xf32, #tpu.memory_space<vmem>> -> memref<320xf32, #tpu.memory_space<vmem>>
    %dma_wait3A_436 = tpu.memref_slice %arg2[%add3A_235] : memref<327680xf32, #tpu.memory_space<hbm>> -> memref<320xf32, #tpu.memory_space<hbm>>
    tpu.wait_dma2 semaphore(%arg6 : memref<!tpu.dma_semaphore, #tpu.memory_space<semaphore_mem>>) src(%dma_wait3A_436 : memref<320xf32, #tpu.memory_space<hbm>>) dst(%dma_wait3A_435 : memref<320xf32, #tpu.memory_space<vmem>>)
    %dma_wait3A_437 = arith.constant 9600 : i32
    %dma_wait3A_438 = tpu.memref_slice %arg4[%dma_wait3A_437] : memref<10240xf32, #tpu.memory_space<vmem>> -> memref<320xf32, #tpu.memory_space<vmem>>
    %dma_wait3A_439 = tpu.memref_slice %arg2[%add3A_243] : memref<327680xf32, #tpu.memory_space<hbm>> -> memref<320xf32, #tpu.memory_space<hbm>>
    %dma_wait3A_440 = arith.constant 9600 : i32
    %dma_wait3A_441 = tpu.memref_slice %arg4[%dma_wait3A_440] : memref<10240xf32, #tpu.memory_space<vmem>> -> memref<320xf32, #tpu.memory_space<vmem>>
    %dma_wait3A_442 = tpu.memref_slice %arg2[%add3A_243] : memref<327680xf32, #tpu.memory_space<hbm>> -> memref<320xf32, #tpu.memory_space<hbm>>
    tpu.wait_dma2 semaphore(%arg6 : memref<!tpu.dma_semaphore, #tpu.memory_space<semaphore_mem>>) src(%dma_wait3A_442 : memref<320xf32, #tpu.memory_space<hbm>>) dst(%dma_wait3A_441 : memref<320xf32, #tpu.memory_space<vmem>>)
    %dma_wait3A_443 = arith.constant 9920 : i32
    %dma_wait3A_444 = tpu.memref_slice %arg4[%dma_wait3A_443] : memref<10240xf32, #tpu.memory_space<vmem>> -> memref<320xf32, #tpu.memory_space<vmem>>
    %dma_wait3A_445 = tpu.memref_slice %arg2[%add3A_251] : memref<327680xf32, #tpu.memory_space<hbm>> -> memref<320xf32, #tpu.memory_space<hbm>>
    %dma_wait3A_446 = arith.constant 9920 : i32
    %dma_wait3A_447 = tpu.memref_slice %arg4[%dma_wait3A_446] : memref<10240xf32, #tpu.memory_space<vmem>> -> memref<320xf32, #tpu.memory_space<vmem>>
    %dma_wait3A_448 = tpu.memref_slice %arg2[%add3A_251] : memref<327680xf32, #tpu.memory_space<hbm>> -> memref<320xf32, #tpu.memory_space<hbm>>
    tpu.wait_dma2 semaphore(%arg6 : memref<!tpu.dma_semaphore, #tpu.memory_space<semaphore_mem>>) src(%dma_wait3A_448 : memref<320xf32, #tpu.memory_space<hbm>>) dst(%dma_wait3A_447 : memref<320xf32, #tpu.memory_space<vmem>>)
    %scan3A = arith.constant 0 : i32
    %scan3A_449 = arith.constant 0 : i32
    %scan3A_450 = arith.constant 20 : i32
    %scan3A_451 = arith.addi %scan3A_449, %scan3A_450 : i32
    %scan3A_452 = arith.constant 1 : i32
    scf.for %scan3A_454 = %scan3A_449 to %scan3A_451 step %scan3A_452  : i32 {
      %mul3A_455 = arith.constant 16 : i32
      %mul3A_456 = arith.muli %scan3A_454, %mul3A_455 : i32
      %get3A = arith.index_cast %mul3A_456 : i32 to index
      %get3A_457 = tpu.vector_load %arg4[%get3A] {strides = array<i32>} : memref<10240xf32, #tpu.memory_space<vmem>>, vector<16xf32>,
      %mul3A_458 = arith.constant 16 : i32
      %mul3A_459 = arith.muli %scan3A_454, %mul3A_458 : i32
      %add3A_460 = arith.constant 320 : i32
      %add3A_461 = arith.addi %add3A_460, %mul3A_459 : i32
      %get3A_462 = arith.index_cast %add3A_461 : i32 to index
      %get3A_463 = tpu.vector_load %arg4[%get3A_462] {strides = array<i32>} : memref<10240xf32, #tpu.memory_space<vmem>>, vector<16xf32>,
      %max3A = arith.maximumf %get3A_457, %get3A_463 : vector<16xf32>
      %mul3A_464 = arith.constant 16 : i32
      %mul3A_465 = arith.muli %scan3A_454, %mul3A_464 : i32
      %add3A_466 = arith.constant 640 : i32
      %add3A_467 = arith.addi %add3A_466, %mul3A_465 : i32
      %get3A_468 = arith.index_cast %add3A_467 : i32 to index
      %get3A_469 = tpu.vector_load %arg4[%get3A_468] {strides = array<i32>} : memref<10240xf32, #tpu.memory_space<vmem>>, vector<16xf32>,
      %max3A_470 = arith.maximumf %max3A, %get3A_469 : vector<16xf32>
      %mul3A_471 = arith.constant 16 : i32
      %mul3A_472 = arith.muli %scan3A_454, %mul3A_471 : i32
      %add3A_473 = arith.constant 960 : i32
      %add3A_474 = arith.addi %add3A_473, %mul3A_472 : i32
      %get3A_475 = arith.index_cast %add3A_474 : i32 to index
      %get3A_476 = tpu.vector_load %arg4[%get3A_475] {strides = array<i32>} : memref<10240xf32, #tpu.memory_space<vmem>>, vector<16xf32>,
      %max3A_477 = arith.maximumf %max3A_470, %get3A_476 : vector<16xf32>
      %mul3A_478 = arith.constant 16 : i32
      %mul3A_479 = arith.muli %scan3A_454, %mul3A_478 : i32
      %add3A_480 = arith.constant 1280 : i32
      %add3A_481 = arith.addi %add3A_480, %mul3A_479 : i32
      %get3A_482 = arith.index_cast %add3A_481 : i32 to index
      %get3A_483 = tpu.vector_load %arg4[%get3A_482] {strides = array<i32>} : memref<10240xf32, #tpu.memory_space<vmem>>, vector<16xf32>,
      %max3A_484 = arith.maximumf %max3A_477, %get3A_483 : vector<16xf32>
      %mul3A_485 = arith.constant 16 : i32
      %mul3A_486 = arith.muli %scan3A_454, %mul3A_485 : i32
      %add3A_487 = arith.constant 1600 : i32
      %add3A_488 = arith.addi %add3A_487, %mul3A_486 : i32
      %get3A_489 = arith.index_cast %add3A_488 : i32 to index
      %get3A_490 = tpu.vector_load %arg4[%get3A_489] {strides = array<i32>} : memref<10240xf32, #tpu.memory_space<vmem>>, vector<16xf32>,
      %max3A_491 = arith.maximumf %max3A_484, %get3A_490 : vector<16xf32>
      %mul3A_492 = arith.constant 16 : i32
      %mul3A_493 = arith.muli %scan3A_454, %mul3A_492 : i32
      %add3A_494 = arith.constant 1920 : i32
      %add3A_495 = arith.addi %add3A_494, %mul3A_493 : i32
      %get3A_496 = arith.index_cast %add3A_495 : i32 to index
      %get3A_497 = tpu.vector_load %arg4[%get3A_496] {strides = array<i32>} : memref<10240xf32, #tpu.memory_space<vmem>>, vector<16xf32>,
      %max3A_498 = arith.maximumf %max3A_491, %get3A_497 : vector<16xf32>
      %mul3A_499 = arith.constant 16 : i32
      %mul3A_500 = arith.muli %scan3A_454, %mul3A_499 : i32
      %add3A_501 = arith.constant 2240 : i32
      %add3A_502 = arith.addi %add3A_501, %mul3A_500 : i32
      %get3A_503 = arith.index_cast %add3A_502 : i32 to index
      %get3A_504 = tpu.vector_load %arg4[%get3A_503] {strides = array<i32>} : memref<10240xf32, #tpu.memory_space<vmem>>, vector<16xf32>,
      %max3A_505 = arith.maximumf %max3A_498, %get3A_504 : vector<16xf32>
      %mul3A_506 = arith.constant 16 : i32
      %mul3A_507 = arith.muli %scan3A_454, %mul3A_506 : i32
      %add3A_508 = arith.constant 2560 : i32
      %add3A_509 = arith.addi %add3A_508, %mul3A_507 : i32
      %get3A_510 = arith.index_cast %add3A_509 : i32 to index
      %get3A_511 = tpu.vector_load %arg4[%get3A_510] {strides = array<i32>} : memref<10240xf32, #tpu.memory_space<vmem>>, vector<16xf32>,
      %max3A_512 = arith.maximumf %max3A_505, %get3A_511 : vector<16xf32>
      %mul3A_513 = arith.constant 16 : i32
      %mul3A_514 = arith.muli %scan3A_454, %mul3A_513 : i32
      %add3A_515 = arith.constant 2880 : i32
      %add3A_516 = arith.addi %add3A_515, %mul3A_514 : i32
      %get3A_517 = arith.index_cast %add3A_516 : i32 to index
      %get3A_518 = tpu.vector_load %arg4[%get3A_517] {strides = array<i32>} : memref<10240xf32, #tpu.memory_space<vmem>>, vector<16xf32>,
      %max3A_519 = arith.maximumf %max3A_512, %get3A_518 : vector<16xf32>
      %mul3A_520 = arith.constant 16 : i32
      %mul3A_521 = arith.muli %scan3A_454, %mul3A_520 : i32
      %add3A_522 = arith.constant 3200 : i32
      %add3A_523 = arith.addi %add3A_522, %mul3A_521 : i32
      %get3A_524 = arith.index_cast %add3A_523 : i32 to index
      %get3A_525 = tpu.vector_load %arg4[%get3A_524] {strides = array<i32>} : memref<10240xf32, #tpu.memory_space<vmem>>, vector<16xf32>,
      %max3A_526 = arith.maximumf %max3A_519, %get3A_525 : vector<16xf32>
      %mul3A_527 = arith.constant 16 : i32
      %mul3A_528 = arith.muli %scan3A_454, %mul3A_527 : i32
      %add3A_529 = arith.constant 3520 : i32
      %add3A_530 = arith.addi %add3A_529, %mul3A_528 : i32
      %get3A_531 = arith.index_cast %add3A_530 : i32 to index
      %get3A_532 = tpu.vector_load %arg4[%get3A_531] {strides = array<i32>} : memref<10240xf32, #tpu.memory_space<vmem>>, vector<16xf32>,
      %max3A_533 = arith.maximumf %max3A_526, %get3A_532 : vector<16xf32>
      %mul3A_534 = arith.constant 16 : i32
      %mul3A_535 = arith.muli %scan3A_454, %mul3A_534 : i32
      %add3A_536 = arith.constant 3840 : i32
      %add3A_537 = arith.addi %add3A_536, %mul3A_535 : i32
      %get3A_538 = arith.index_cast %add3A_537 : i32 to index
      %get3A_539 = tpu.vector_load %arg4[%get3A_538] {strides = array<i32>} : memref<10240xf32, #tpu.memory_space<vmem>>, vector<16xf32>,
      %max3A_540 = arith.maximumf %max3A_533, %get3A_539 : vector<16xf32>
      %mul3A_541 = arith.constant 16 : i32
      %mul3A_542 = arith.muli %scan3A_454, %mul3A_541 : i32
      %add3A_543 = arith.constant 4160 : i32
      %add3A_544 = arith.addi %add3A_543, %mul3A_542 : i32
      %get3A_545 = arith.index_cast %add3A_544 : i32 to index
      %get3A_546 = tpu.vector_load %arg4[%get3A_545] {strides = array<i32>} : memref<10240xf32, #tpu.memory_space<vmem>>, vector<16xf32>,
      %max3A_547 = arith.maximumf %max3A_540, %get3A_546 : vector<16xf32>
      %mul3A_548 = arith.constant 16 : i32
      %mul3A_549 = arith.muli %scan3A_454, %mul3A_548 : i32
      %add3A_550 = arith.constant 4480 : i32
      %add3A_551 = arith.addi %add3A_550, %mul3A_549 : i32
      %get3A_552 = arith.index_cast %add3A_551 : i32 to index
      %get3A_553 = tpu.vector_load %arg4[%get3A_552] {strides = array<i32>} : memref<10240xf32, #tpu.memory_space<vmem>>, vector<16xf32>,
      %max3A_554 = arith.maximumf %max3A_547, %get3A_553 : vector<16xf32>
      %mul3A_555 = arith.constant 16 : i32
      %mul3A_556 = arith.muli %scan3A_454, %mul3A_555 : i32
      %add3A_557 = arith.constant 4800 : i32
      %add3A_558 = arith.addi %add3A_557, %mul3A_556 : i32
      %get3A_559 = arith.index_cast %add3A_558 : i32 to index
      %get3A_560 = tpu.vector_load %arg4[%get3A_559] {strides = array<i32>} : memref<10240xf32, #tpu.memory_space<vmem>>, vector<16xf32>,
      %max3A_561 = arith.maximumf %max3A_554, %get3A_560 : vector<16xf32>
      %mul3A_562 = arith.constant 16 : i32
      %mul3A_563 = arith.muli %scan3A_454, %mul3A_562 : i32
      %add3A_564 = arith.constant 5120 : i32
      %add3A_565 = arith.addi %add3A_564, %mul3A_563 : i32
      %get3A_566 = arith.index_cast %add3A_565 : i32 to index
      %get3A_567 = tpu.vector_load %arg4[%get3A_566] {strides = array<i32>} : memref<10240xf32, #tpu.memory_space<vmem>>, vector<16xf32>,
      %max3A_568 = arith.maximumf %max3A_561, %get3A_567 : vector<16xf32>
      %mul3A_569 = arith.constant 16 : i32
      %mul3A_570 = arith.muli %scan3A_454, %mul3A_569 : i32
      %add3A_571 = arith.constant 5440 : i32
      %add3A_572 = arith.addi %add3A_571, %mul3A_570 : i32
      %get3A_573 = arith.index_cast %add3A_572 : i32 to index
      %get3A_574 = tpu.vector_load %arg4[%get3A_573] {strides = array<i32>} : memref<10240xf32, #tpu.memory_space<vmem>>, vector<16xf32>,
      %max3A_575 = arith.maximumf %max3A_568, %get3A_574 : vector<16xf32>
      %mul3A_576 = arith.constant 16 : i32
      %mul3A_577 = arith.muli %scan3A_454, %mul3A_576 : i32
      %add3A_578 = arith.constant 5760 : i32
      %add3A_579 = arith.addi %add3A_578, %mul3A_577 : i32
      %get3A_580 = arith.index_cast %add3A_579 : i32 to index
      %get3A_581 = tpu.vector_load %arg4[%get3A_580] {strides = array<i32>} : memref<10240xf32, #tpu.memory_space<vmem>>, vector<16xf32>,
      %max3A_582 = arith.maximumf %max3A_575, %get3A_581 : vector<16xf32>
      %mul3A_583 = arith.constant 16 : i32
      %mul3A_584 = arith.muli %scan3A_454, %mul3A_583 : i32
      %add3A_585 = arith.constant 6080 : i32
      %add3A_586 = arith.addi %add3A_585, %mul3A_584 : i32
      %get3A_587 = arith.index_cast %add3A_586 : i32 to index
      %get3A_588 = tpu.vector_load %arg4[%get3A_587] {strides = array<i32>} : memref<10240xf32, #tpu.memory_space<vmem>>, vector<16xf32>,
      %max3A_589 = arith.maximumf %max3A_582, %get3A_588 : vector<16xf32>
      %mul3A_590 = arith.constant 16 : i32
      %mul3A_591 = arith.muli %scan3A_454, %mul3A_590 : i32
      %add3A_592 = arith.constant 6400 : i32
      %add3A_593 = arith.addi %add3A_592, %mul3A_591 : i32
      %get3A_594 = arith.index_cast %add3A_593 : i32 to index
      %get3A_595 = tpu.vector_load %arg4[%get3A_594] {strides = array<i32>} : memref<10240xf32, #tpu.memory_space<vmem>>, vector<16xf32>,
      %max3A_596 = arith.maximumf %max3A_589, %get3A_595 : vector<16xf32>
      %mul3A_597 = arith.constant 16 : i32
      %mul3A_598 = arith.muli %scan3A_454, %mul3A_597 : i32
      %add3A_599 = arith.constant 6720 : i32
      %add3A_600 = arith.addi %add3A_599, %mul3A_598 : i32
      %get3A_601 = arith.index_cast %add3A_600 : i32 to index
      %get3A_602 = tpu.vector_load %arg4[%get3A_601] {strides = array<i32>} : memref<10240xf32, #tpu.memory_space<vmem>>, vector<16xf32>,
      %max3A_603 = arith.maximumf %max3A_596, %get3A_602 : vector<16xf32>
      %mul3A_604 = arith.constant 16 : i32
      %mul3A_605 = arith.muli %scan3A_454, %mul3A_604 : i32
      %add3A_606 = arith.constant 7040 : i32
      %add3A_607 = arith.addi %add3A_606, %mul3A_605 : i32
      %get3A_608 = arith.index_cast %add3A_607 : i32 to index
      %get3A_609 = tpu.vector_load %arg4[%get3A_608] {strides = array<i32>} : memref<10240xf32, #tpu.memory_space<vmem>>, vector<16xf32>,
      %max3A_610 = arith.maximumf %max3A_603, %get3A_609 : vector<16xf32>
      %mul3A_611 = arith.constant 16 : i32
      %mul3A_612 = arith.muli %scan3A_454, %mul3A_611 : i32
      %add3A_613 = arith.constant 7360 : i32
      %add3A_614 = arith.addi %add3A_613, %mul3A_612 : i32
      %get3A_615 = arith.index_cast %add3A_614 : i32 to index
      %get3A_616 = tpu.vector_load %arg4[%get3A_615] {strides = array<i32>} : memref<10240xf32, #tpu.memory_space<vmem>>, vector<16xf32>,
      %max3A_617 = arith.maximumf %max3A_610, %get3A_616 : vector<16xf32>
      %mul3A_618 = arith.constant 16 : i32
      %mul3A_619 = arith.muli %scan3A_454, %mul3A_618 : i32
      %add3A_620 = arith.constant 7680 : i32
      %add3A_621 = arith.addi %add3A_620, %mul3A_619 : i32
      %get3A_622 = arith.index_cast %add3A_621 : i32 to index
      %get3A_623 = tpu.vector_load %arg4[%get3A_622] {strides = array<i32>} : memref<10240xf32, #tpu.memory_space<vmem>>, vector<16xf32>,
      %max3A_624 = arith.maximumf %max3A_617, %get3A_623 : vector<16xf32>
      %mul3A_625 = arith.constant 16 : i32
      %mul3A_626 = arith.muli %scan3A_454, %mul3A_625 : i32
      %add3A_627 = arith.constant 8000 : i32
      %add3A_628 = arith.addi %add3A_627, %mul3A_626 : i32
      %get3A_629 = arith.index_cast %add3A_628 : i32 to index
      %get3A_630 = tpu.vector_load %arg4[%get3A_629] {strides = array<i32>} : memref<10240xf32, #tpu.memory_space<vmem>>, vector<16xf32>,
      %max3A_631 = arith.maximumf %max3A_624, %get3A_630 : vector<16xf32>
      %mul3A_632 = arith.constant 16 : i32
      %mul3A_633 = arith.muli %scan3A_454, %mul3A_632 : i32
      %add3A_634 = arith.constant 8320 : i32
      %add3A_635 = arith.addi %add3A_634, %mul3A_633 : i32
      %get3A_636 = arith.index_cast %add3A_635 : i32 to index
      %get3A_637 = tpu.vector_load %arg4[%get3A_636] {strides = array<i32>} : memref<10240xf32, #tpu.memory_space<vmem>>, vector<16xf32>,
      %max3A_638 = arith.maximumf %max3A_631, %get3A_637 : vector<16xf32>
      %mul3A_639 = arith.constant 16 : i32
      %mul3A_640 = arith.muli %scan3A_454, %mul3A_639 : i32
      %add3A_641 = arith.constant 8640 : i32
      %add3A_642 = arith.addi %add3A_641, %mul3A_640 : i32
      %get3A_643 = arith.index_cast %add3A_642 : i32 to index
      %get3A_644 = tpu.vector_load %arg4[%get3A_643] {strides = array<i32>} : memref<10240xf32, #tpu.memory_space<vmem>>, vector<16xf32>,
      %max3A_645 = arith.maximumf %max3A_638, %get3A_644 : vector<16xf32>
      %mul3A_646 = arith.constant 16 : i32
      %mul3A_647 = arith.muli %scan3A_454, %mul3A_646 : i32
      %add3A_648 = arith.constant 8960 : i32
      %add3A_649 = arith.addi %add3A_648, %mul3A_647 : i32
      %get3A_650 = arith.index_cast %add3A_649 : i32 to index
      %get3A_651 = tpu.vector_load %arg4[%get3A_650] {strides = array<i32>} : memref<10240xf32, #tpu.memory_space<vmem>>, vector<16xf32>,
      %max3A_652 = arith.maximumf %max3A_645, %get3A_651 : vector<16xf32>
      %mul3A_653 = arith.constant 16 : i32
      %mul3A_654 = arith.muli %scan3A_454, %mul3A_653 : i32
      %add3A_655 = arith.constant 9280 : i32
      %add3A_656 = arith.addi %add3A_655, %mul3A_654 : i32
      %get3A_657 = arith.index_cast %add3A_656 : i32 to index
      %get3A_658 = tpu.vector_load %arg4[%get3A_657] {strides = array<i32>} : memref<10240xf32, #tpu.memory_space<vmem>>, vector<16xf32>,
      %max3A_659 = arith.maximumf %max3A_652, %get3A_658 : vector<16xf32>
      %mul3A_660 = arith.constant 16 : i32
      %mul3A_661 = arith.muli %scan3A_454, %mul3A_660 : i32
      %add3A_662 = arith.constant 9600 : i32
      %add3A_663 = arith.addi %add3A_662, %mul3A_661 : i32
      %get3A_664 = arith.index_cast %add3A_663 : i32 to index
      %get3A_665 = tpu.vector_load %arg4[%get3A_664] {strides = array<i32>} : memref<10240xf32, #tpu.memory_space<vmem>>, vector<16xf32>,
      %max3A_666 = arith.maximumf %max3A_659, %get3A_665 : vector<16xf32>
      %mul3A_667 = arith.constant 16 : i32
      %mul3A_668 = arith.muli %scan3A_454, %mul3A_667 : i32
      %add3A_669 = arith.constant 9920 : i32
      %add3A_670 = arith.addi %add3A_669, %mul3A_668 : i32
      %get3A_671 = arith.index_cast %add3A_670 : i32 to index
      %get3A_672 = tpu.vector_load %arg4[%get3A_671] {strides = array<i32>} : memref<10240xf32, #tpu.memory_space<vmem>>, vector<16xf32>,
      %max3A_673 = arith.maximumf %max3A_666, %get3A_672 : vector<16xf32>
      %mul3A_674 = arith.constant 16 : i32
      %mul3A_675 = arith.muli %scan3A_454, %mul3A_674 : i32
      %swap3A = arith.index_cast %mul3A_675 : i32 to index
      %swap3A_676 = tpu.vector_load %arg5[%swap3A] {strides = array<i32>} : memref<320xf32, #tpu.memory_space<vmem>>, vector<16xf32>,
      tpu.vector_store %arg5[%swap3A], %max3A_673 {strides = array<i32>} : memref<320xf32, #tpu.memory_space<vmem>>, vector<16xf32>,
    }
    %scan3A_453 = arith.constant 20 : i32
    "tpu.region"() ({
      %run_scoped3A = tpu.sem_alloc : memref<!tpu.dma_semaphore, #tpu.memory_space<semaphore_mem>>
      %dma_start3A_454 = tpu.memref_slice %arg3[%mul3A_2] : memref<10240xf32, #tpu.memory_space<hbm>> -> memref<320xf32, #tpu.memory_space<hbm>>
      %dma_start3A_455 = tpu.memref_slice %arg3[%mul3A_2] : memref<10240xf32, #tpu.memory_space<hbm>> -> memref<320xf32, #tpu.memory_space<hbm>>
      tpu.enqueue_dma source(%arg5 : memref<320xf32, #tpu.memory_space<vmem>>) target(%dma_start3A_455 : memref<320xf32, #tpu.memory_space<hbm>>) target_semaphore(%run_scoped3A : memref<!tpu.dma_semaphore, #tpu.memory_space<semaphore_mem>>)
      %dma_wait3A_456 = tpu.memref_slice %arg3[%mul3A_2] : memref<10240xf32, #tpu.memory_space<hbm>> -> memref<320xf32, #tpu.memory_space<hbm>>
      %dma_wait3A_457 = tpu.memref_slice %arg3[%mul3A_2] : memref<10240xf32, #tpu.memory_space<hbm>> -> memref<320xf32, #tpu.memory_space<hbm>>
      tpu.wait_dma2 semaphore(%run_scoped3A : memref<!tpu.dma_semaphore, #tpu.memory_space<semaphore_mem>>) src(%arg5 : memref<320xf32, #tpu.memory_space<vmem>>) dst(%dma_wait3A_457 : memref<320xf32, #tpu.memory_space<hbm>>)
      tpu.yield
    }) : () -> ()
    return
  }
}

module attributes {stable_mosaic.version = 14 : i64} {
  func.func @_tc_body(%arg0: i32, %arg1: memref<1x1x3200xi32, #tpu.memory_space<vmem>>, %arg2: memref<1x1x3200xf32, #tpu.memory_space<vmem>>, %arg3: memref<3200x128xf32, #tpu.memory_space<vmem>>, %arg4: memref<10240x1xf32, #tpu.memory_space<vmem>>, %arg5: memref<10240x128xf32, #tpu.memory_space<vmem>>, %arg6: memref<10240x1xf32, #tpu.memory_space<vmem>>) attributes {dimension_semantics = [#tpu.dimension_semantics<arbitrary>], iteration_bounds = array<i64: 100>, scalar_prefetch = 0 : i64, scratch_operands = 0 : i64, tpu.core_type = #tpu.core_type<tc>, window_params = [{transform_indices = @transform_0, window_bounds = array<i64: 1, 1, 3200>}, {transform_indices = @transform_1, window_bounds = array<i64: 1, 1, 3200>}, {transform_indices = @transform_2, window_bounds = array<i64: 3200, 128>}, {pipeline_mode = #tpu.pipeline_mode<synchronous>, transform_indices = @transform_3, window_bounds = array<i64: 10240, 1>}, {pipeline_mode = #tpu.pipeline_mode<synchronous>, transform_indices = @transform_4, window_bounds = array<i64: 10240, 128>}, {pipeline_mode = #tpu.pipeline_mode<synchronous>, transform_indices = @transform_5, window_bounds = array<i64: 10240, 1>}]} {
    %get3A = arith.constant 0 : index
    %get3A_0 = arith.constant 0 : index
    %get3A_1 = arith.constant 0 : index
    %get3A_2 = vector.load %arg1[%get3A, %get3A_0, %get3A_1] : memref<1x1x3200xi32, #tpu.memory_space<vmem>>, vector<1x1x3200xi32>
    %get3A_3 = vector.shape_cast %get3A_2 : vector<1x1x3200xi32> to vector<1x3200xi32>
    %get3A_4 = arith.constant 0 : index
    %get3A_5 = arith.constant 0 : index
    %get3A_6 = arith.constant 0 : index
    %get3A_7 = vector.load %arg2[%get3A_4, %get3A_5, %get3A_6] : memref<1x1x3200xf32, #tpu.memory_space<vmem>>, vector<1x1x3200xf32>
    %get3A_8 = vector.shape_cast %get3A_7 : vector<1x1x3200xf32> to vector<1x3200xf32>
    %reduce_min3A = vector.shape_cast %get3A_3 : vector<1x3200xi32> to vector<1x1x3200xi32>
    %reduce_min3A_9 = arith.constant dense<2147483647> : vector<1xi32>
    %reduce_min3A_10 = vector.multi_reduction <minsi>, %reduce_min3A, %reduce_min3A_9 [1, 2] : vector<1x1x3200xi32> to vector<1xi32>
    %reduce_min3A_11 = vector.shape_cast %reduce_min3A_10 : vector<1xi32> to vector<1x1x1xi32>
    %reduce_min3A_12 = vector.extract %reduce_min3A_11[0, 0, 0] : i32 from vector<1x1x1xi32>
    %jit3A = arith.constant 8 : i32
    %div3A = arith.divsi %reduce_min3A_12, %jit3A : i32
    %sign3A = arith.constant 0 : i32
    %sign3A_13 = arith.cmpi sgt, %reduce_min3A_12, %sign3A : i32
    %sign3A_14 = arith.extui %sign3A_13 : i1 to i32
    %sign3A_15 = arith.constant 0 : i32
    %sign3A_16 = arith.cmpi slt, %reduce_min3A_12, %sign3A_15 : i32
    %sign3A_17 = arith.extui %sign3A_16 : i1 to i32
    %sign3A_18 = arith.subi %sign3A_14, %sign3A_17 : i32
    %sign3A_19 = arith.constant 0 : i32
    %sign3A_20 = arith.cmpi sgt, %jit3A, %sign3A_19 : i32
    %sign3A_21 = arith.extui %sign3A_20 : i1 to i32
    %sign3A_22 = arith.constant 0 : i32
    %sign3A_23 = arith.cmpi slt, %jit3A, %sign3A_22 : i32
    %sign3A_24 = arith.extui %sign3A_23 : i1 to i32
    %sign3A_25 = arith.subi %sign3A_21, %sign3A_24 : i32
    %ne3A = arith.cmpi ne, %sign3A_18, %sign3A_25 : i32
    %rem3A = arith.remsi %reduce_min3A_12, %jit3A : i32
    %ne3A_26 = arith.constant 0 : i32
    %ne3A_27 = arith.cmpi ne, %rem3A, %ne3A_26 : i32
    %and3A = arith.andi %ne3A, %ne3A_27 : i1
    %sub3A = arith.constant 1 : i32
    %sub3A_28 = arith.subi %div3A, %sub3A : i32
    %select_n3A = arith.select %and3A, %sub3A_28, %div3A : i32
    %mul3A = arith.constant 8 : i32
    %mul3A_29 = arith.muli %select_n3A, %mul3A : i32
    %min3A = arith.constant 10112 : i32
    %min3A_30 = arith.minsi %mul3A_29, %min3A : i32
    %reduce_max3A = vector.shape_cast %get3A_3 : vector<1x3200xi32> to vector<1x1x3200xi32>
    %reduce_max3A_31 = arith.constant dense<-2147483648> : vector<1xi32>
    %reduce_max3A_32 = vector.multi_reduction <maxsi>, %reduce_max3A, %reduce_max3A_31 [1, 2] : vector<1x1x3200xi32> to vector<1xi32>
    %reduce_max3A_33 = vector.shape_cast %reduce_max3A_32 : vector<1xi32> to vector<1x1x1xi32>
    %reduce_max3A_34 = vector.extract %reduce_max3A_33[0, 0, 0] : i32 from vector<1x1x1xi32>
    %sub3A_35 = arith.subi %reduce_max3A_34, %min3A_30 : i32
    %jit3A_36 = arith.constant 128 : i32
    %div3A_37 = arith.divsi %sub3A_35, %jit3A_36 : i32
    %sign3A_38 = arith.constant 0 : i32
    %sign3A_39 = arith.cmpi sgt, %sub3A_35, %sign3A_38 : i32
    %sign3A_40 = arith.extui %sign3A_39 : i1 to i32
    %sign3A_41 = arith.constant 0 : i32
    %sign3A_42 = arith.cmpi slt, %sub3A_35, %sign3A_41 : i32
    %sign3A_43 = arith.extui %sign3A_42 : i1 to i32
    %sign3A_44 = arith.subi %sign3A_40, %sign3A_43 : i32
    %sign3A_45 = arith.constant 0 : i32
    %sign3A_46 = arith.cmpi sgt, %jit3A_36, %sign3A_45 : i32
    %sign3A_47 = arith.extui %sign3A_46 : i1 to i32
    %sign3A_48 = arith.constant 0 : i32
    %sign3A_49 = arith.cmpi slt, %jit3A_36, %sign3A_48 : i32
    %sign3A_50 = arith.extui %sign3A_49 : i1 to i32
    %sign3A_51 = arith.subi %sign3A_47, %sign3A_50 : i32
    %ne3A_52 = arith.cmpi ne, %sign3A_44, %sign3A_51 : i32
    %rem3A_53 = arith.remsi %sub3A_35, %jit3A_36 : i32
    %ne3A_54 = arith.constant 0 : i32
    %ne3A_55 = arith.cmpi ne, %rem3A_53, %ne3A_54 : i32
    %and3A_56 = arith.andi %ne3A_52, %ne3A_55 : i1
    %sub3A_57 = arith.constant 1 : i32
    %sub3A_58 = arith.subi %div3A_37, %sub3A_57 : i32
    %select_n3A_59 = arith.select %and3A_56, %sub3A_58, %div3A_37 : i32
    %add3A = arith.constant 1 : i32
    %add3A_60 = arith.addi %select_n3A_59, %add3A : i32
    %iota3A = tpu.iota {dimensions = array<i32: 0>} : vector<128x1xi32>
    %eq3A = arith.constant 0 : i32
    %eq3A_61 = arith.cmpi eq, %arg0, %eq3A : i32
    %convert_element_type3A = arith.extui %eq3A_61 : i1 to i32
    %cond3A = arith.constant 0 : i32
    %cond3A_62 = arith.cmpi ne, %convert_element_type3A, %cond3A : i32
    scf.if %cond3A_62 {
      %broadcast_in_dim3A_81 = arith.constant 0.000000e+00 : f32
      %broadcast_in_dim3A_82 = vector.broadcast %broadcast_in_dim3A_81 : f32 to vector<10240x1xf32>
      %swap3A = arith.constant 0 : index
      %swap3A_83 = arith.constant 0 : index
      %swap3A_84 = vector.load %arg6[%swap3A, %swap3A_83] : memref<10240x1xf32, #tpu.memory_space<vmem>>, vector<10240x1xf32>
      tpu.vector_store %arg6[%swap3A, %swap3A_83], %broadcast_in_dim3A_82 {strides = array<i32>} : memref<10240x1xf32, #tpu.memory_space<vmem>>, vector<10240x1xf32>,
      %broadcast_in_dim3A_85 = arith.constant 0.000000e+00 : f32
      %broadcast_in_dim3A_86 = vector.broadcast %broadcast_in_dim3A_85 : f32 to vector<10240x128xf32>
      %swap3A_87 = arith.constant 0 : index
      %swap3A_88 = arith.constant 0 : index
      %swap3A_89 = vector.load %arg5[%swap3A_87, %swap3A_88] : memref<10240x128xf32, #tpu.memory_space<vmem>>, vector<10240x128xf32>
      tpu.vector_store %arg5[%swap3A_87, %swap3A_88], %broadcast_in_dim3A_86 {strides = array<i32>} : memref<10240x128xf32, #tpu.memory_space<vmem>>, vector<10240x128xf32>,
    } else {
    }
    %get3A_63 = arith.constant 0 : index
    %get3A_64 = arith.constant 0 : index
    %get3A_65 = vector.load %arg3[%get3A_63, %get3A_64] : memref<3200x128xf32, #tpu.memory_space<vmem>>, vector<3200x128xf32>
    %broadcast_in_dim3A = arith.constant 1.000000e+00 : f32
    %broadcast_in_dim3A_66 = vector.broadcast %broadcast_in_dim3A : f32 to vector<3200x1xf32>
    %while3A = arith.constant 0 : i32
    %while3A_67 = arith.constant 0 : i32
    %while3A_68 = arith.subi %add3A_60, %while3A_67 : i32
    %while3A_69 = arith.addi %while3A_67, %while3A_68 : i32
    %while3A_70 = arith.constant 1 : i32
    %while3A_71 = arith.divsi %while3A_68, %while3A_70 : i32
    %while3A_72 = arith.muli %while3A_71, %while3A_70 : i32
    %while3A_73 = arith.addi %while3A_67, %while3A_72 : i32
    %while3A_74 = arith.constant 1 : i32
    scf.for %while3A_81 = %while3A_67 to %while3A_73 step %while3A_74  : i32 {
      %mul3A_82 = arith.constant 128 : i32
      %mul3A_83 = arith.muli %while3A_81, %mul3A_82 : i32
      %add3A_84 = arith.addi %min3A_30, %mul3A_83 : i32
      %min3A_85 = arith.constant 10112 : i32
      %min3A_86 = arith.minsi %add3A_84, %min3A_85 : i32
      %ge3A = vector.broadcast %add3A_84 : i32 to vector<1x3200xi32>
      %ge3A_87 = arith.cmpi sge, %get3A_3, %ge3A : vector<1x3200xi32>
      %sub3A_88 = vector.broadcast %min3A_86 : i32 to vector<1x3200xi32>
      %sub3A_89 = arith.subi %get3A_3, %sub3A_88 : vector<1x3200xi32>
      %jit3A_90 = arith.constant -1 : i32
      %broadcast_in_dim3A_91 = vector.broadcast %jit3A_90 : i32 to vector<1x3200xi32>
      %select_n3A_92 = arith.select %ge3A_87, %sub3A_89, %broadcast_in_dim3A_91 : vector<1x3200xi1>, vector<1x3200xi32>
      %eq3A_93 = vector.broadcast %select_n3A_92 : vector<1x3200xi32> to vector<128x3200xi32>
      %eq3A_94 = vector.broadcast %iota3A : vector<128x1xi32> to vector<128x3200xi32>
      %eq3A_95 = arith.cmpi eq, %eq3A_93, %eq3A_94 : vector<128x3200xi32>
      %jit3A_96 = arith.constant 1.000000e+00 : f32
      %jit3A_97 = arith.constant 0.000000e+00 : f32
      %broadcast_in_dim3A_98 = vector.broadcast %jit3A_96 : f32 to vector<128x3200xf32>
      %broadcast_in_dim3A_99 = vector.broadcast %jit3A_97 : f32 to vector<128x3200xf32>
      %select_n3A_100 = arith.select %eq3A_95, %broadcast_in_dim3A_98, %broadcast_in_dim3A_99 : vector<128x3200xi1>, vector<128x3200xf32>
      %get3A_101 = arith.index_cast %min3A_86 : i32 to index
      %get3A_102 = arith.constant 0 : index
      %get3A_103 = vector.load %arg4[%get3A_101, %get3A_102] : memref<10240x1xf32, #tpu.memory_space<vmem>>, vector<128x1xf32>
      %mul3A_104 = vector.broadcast %get3A_103 : vector<128x1xf32> to vector<128x3200xf32>
      %mul3A_105 = arith.mulf %select_n3A_100, %mul3A_104 : vector<128x3200xf32>
      %reduce_sum3A = arith.constant dense<0.000000e+00> : vector<3200xf32>
      %reduce_sum3A_106 = vector.multi_reduction <add>, %mul3A_105, %reduce_sum3A [0] : vector<128x3200xf32> to vector<3200xf32>
      %broadcast_in_dim3A_107 = vector.shape_cast %reduce_sum3A_106 : vector<3200xf32> to vector<1x3200xf32>
      %sub3A_108 = arith.subf %get3A_8, %broadcast_in_dim3A_107 : vector<1x3200xf32>
      %mul3A_109 = arith.constant 8.000000e-01 : f32
      %mul3A_110 = vector.broadcast %mul3A_109 : f32 to vector<1x3200xf32>
      %mul3A_111 = arith.mulf %mul3A_110, %sub3A_108 : vector<1x3200xf32>
      %min3A_112 = arith.constant 0.000000e+00 : f32
      %min3A_113 = vector.broadcast %min3A_112 : f32 to vector<1x3200xf32>
      %min3A_114 = arith.minimumf %mul3A_111, %min3A_113 : vector<1x3200xf32>
      %exp3A = math.exp %min3A_114 : vector<1x3200xf32>
      %mul3A_115 = vector.broadcast %exp3A : vector<1x3200xf32> to vector<128x3200xf32>
      %mul3A_116 = arith.mulf %select_n3A_100, %mul3A_115 : vector<128x3200xf32>
      %get3A_117 = arith.index_cast %min3A_86 : i32 to index
      %get3A_118 = arith.constant 0 : index
      %get3A_119 = vector.load %arg6[%get3A_117, %get3A_118] : memref<10240x1xf32, #tpu.memory_space<vmem>>, vector<128x1xf32>
      %dot_general3A = arith.constant dense<0.000000e+00> : vector<128x1xf32>
      %dot_general3A_120 = tpu.matmul %mul3A_116, %broadcast_in_dim3A_66, %dot_general3A {dimension_numbers = #tpu.dot_dimension_numbers<[1], [0], [0], [1], [0, 0, 1, 1], [], []>, transpose_lhs_hint = false} : vector<128x3200xf32>, vector<3200x1xf32>, vector<128x1xf32> -> vector<128x1xf32>
      %add3A_121 = arith.addf %get3A_119, %dot_general3A_120 : vector<128x1xf32>
      %swap3A = arith.index_cast %min3A_86 : i32 to index
      %swap3A_122 = arith.constant 0 : index
      %swap3A_123 = vector.load %arg6[%swap3A, %swap3A_122] : memref<10240x1xf32, #tpu.memory_space<vmem>>, vector<128x1xf32>
      tpu.vector_store %arg6[%swap3A, %swap3A_122], %add3A_121 {strides = array<i32>} : memref<10240x1xf32, #tpu.memory_space<vmem>>, vector<128x1xf32>,
      %get3A_124 = arith.index_cast %min3A_86 : i32 to index
      %get3A_125 = arith.constant 0 : index
      %get3A_126 = vector.load %arg5[%get3A_124, %get3A_125] : memref<10240x128xf32, #tpu.memory_space<vmem>>, vector<128x128xf32>
      %dot_general3A_127 = arith.constant dense<0.000000e+00> : vector<128x128xf32>
      %dot_general3A_128 = tpu.matmul %mul3A_116, %get3A_65, %dot_general3A_127 {dimension_numbers = #tpu.dot_dimension_numbers<[1], [0], [0], [1], [0, 0, 1, 1], [], []>, transpose_lhs_hint = false} : vector<128x3200xf32>, vector<3200x128xf32>, vector<128x128xf32> -> vector<128x128xf32>
      %add3A_129 = arith.addf %get3A_126, %dot_general3A_128 : vector<128x128xf32>
      %swap3A_130 = arith.index_cast %min3A_86 : i32 to index
      %swap3A_131 = arith.constant 0 : index
      %swap3A_132 = vector.load %arg5[%swap3A_130, %swap3A_131] : memref<10240x128xf32, #tpu.memory_space<vmem>>, vector<128x128xf32>
      tpu.vector_store %arg5[%swap3A_130, %swap3A_131], %add3A_129 {strides = array<i32>} : memref<10240x128xf32, #tpu.memory_space<vmem>>, vector<128x128xf32>,
    }
    %while3A_75 = arith.constant 1 : i32
    scf.for %while3A_81 = %while3A_73 to %while3A_69 step %while3A_75  : i32 {
      %mul3A_82 = arith.constant 128 : i32
      %mul3A_83 = arith.muli %while3A_81, %mul3A_82 : i32
      %add3A_84 = arith.addi %min3A_30, %mul3A_83 : i32
      %min3A_85 = arith.constant 10112 : i32
      %min3A_86 = arith.minsi %add3A_84, %min3A_85 : i32
      %ge3A = vector.broadcast %add3A_84 : i32 to vector<1x3200xi32>
      %ge3A_87 = arith.cmpi sge, %get3A_3, %ge3A : vector<1x3200xi32>
      %sub3A_88 = vector.broadcast %min3A_86 : i32 to vector<1x3200xi32>
      %sub3A_89 = arith.subi %get3A_3, %sub3A_88 : vector<1x3200xi32>
      %jit3A_90 = arith.constant -1 : i32
      %broadcast_in_dim3A_91 = vector.broadcast %jit3A_90 : i32 to vector<1x3200xi32>
      %select_n3A_92 = arith.select %ge3A_87, %sub3A_89, %broadcast_in_dim3A_91 : vector<1x3200xi1>, vector<1x3200xi32>
      %eq3A_93 = vector.broadcast %select_n3A_92 : vector<1x3200xi32> to vector<128x3200xi32>
      %eq3A_94 = vector.broadcast %iota3A : vector<128x1xi32> to vector<128x3200xi32>
      %eq3A_95 = arith.cmpi eq, %eq3A_93, %eq3A_94 : vector<128x3200xi32>
      %jit3A_96 = arith.constant 1.000000e+00 : f32
      %jit3A_97 = arith.constant 0.000000e+00 : f32
      %broadcast_in_dim3A_98 = vector.broadcast %jit3A_96 : f32 to vector<128x3200xf32>
      %broadcast_in_dim3A_99 = vector.broadcast %jit3A_97 : f32 to vector<128x3200xf32>
      %select_n3A_100 = arith.select %eq3A_95, %broadcast_in_dim3A_98, %broadcast_in_dim3A_99 : vector<128x3200xi1>, vector<128x3200xf32>
      %get3A_101 = arith.index_cast %min3A_86 : i32 to index
      %get3A_102 = arith.constant 0 : index
      %get3A_103 = vector.load %arg4[%get3A_101, %get3A_102] : memref<10240x1xf32, #tpu.memory_space<vmem>>, vector<128x1xf32>
      %mul3A_104 = vector.broadcast %get3A_103 : vector<128x1xf32> to vector<128x3200xf32>
      %mul3A_105 = arith.mulf %select_n3A_100, %mul3A_104 : vector<128x3200xf32>
      %reduce_sum3A = arith.constant dense<0.000000e+00> : vector<3200xf32>
      %reduce_sum3A_106 = vector.multi_reduction <add>, %mul3A_105, %reduce_sum3A [0] : vector<128x3200xf32> to vector<3200xf32>
      %broadcast_in_dim3A_107 = vector.shape_cast %reduce_sum3A_106 : vector<3200xf32> to vector<1x3200xf32>
      %sub3A_108 = arith.subf %get3A_8, %broadcast_in_dim3A_107 : vector<1x3200xf32>
      %mul3A_109 = arith.constant 8.000000e-01 : f32
      %mul3A_110 = vector.broadcast %mul3A_109 : f32 to vector<1x3200xf32>
      %mul3A_111 = arith.mulf %mul3A_110, %sub3A_108 : vector<1x3200xf32>
      %min3A_112 = arith.constant 0.000000e+00 : f32
      %min3A_113 = vector.broadcast %min3A_112 : f32 to vector<1x3200xf32>
      %min3A_114 = arith.minimumf %mul3A_111, %min3A_113 : vector<1x3200xf32>
      %exp3A = math.exp %min3A_114 : vector<1x3200xf32>
      %mul3A_115 = vector.broadcast %exp3A : vector<1x3200xf32> to vector<128x3200xf32>
      %mul3A_116 = arith.mulf %select_n3A_100, %mul3A_115 : vector<128x3200xf32>
      %get3A_117 = arith.index_cast %min3A_86 : i32 to index
      %get3A_118 = arith.constant 0 : index
      %get3A_119 = vector.load %arg6[%get3A_117, %get3A_118] : memref<10240x1xf32, #tpu.memory_space<vmem>>, vector<128x1xf32>
      %dot_general3A = arith.constant dense<0.000000e+00> : vector<128x1xf32>
      %dot_general3A_120 = tpu.matmul %mul3A_116, %broadcast_in_dim3A_66, %dot_general3A {dimension_numbers = #tpu.dot_dimension_numbers<[1], [0], [0], [1], [0, 0, 1, 1], [], []>, transpose_lhs_hint = false} : vector<128x3200xf32>, vector<3200x1xf32>, vector<128x1xf32> -> vector<128x1xf32>
      %add3A_121 = arith.addf %get3A_119, %dot_general3A_120 : vector<128x1xf32>
      %swap3A = arith.index_cast %min3A_86 : i32 to index
      %swap3A_122 = arith.constant 0 : index
      %swap3A_123 = vector.load %arg6[%swap3A, %swap3A_122] : memref<10240x1xf32, #tpu.memory_space<vmem>>, vector<128x1xf32>
      tpu.vector_store %arg6[%swap3A, %swap3A_122], %add3A_121 {strides = array<i32>} : memref<10240x1xf32, #tpu.memory_space<vmem>>, vector<128x1xf32>,
      %get3A_124 = arith.index_cast %min3A_86 : i32 to index
      %get3A_125 = arith.constant 0 : index
      %get3A_126 = vector.load %arg5[%get3A_124, %get3A_125] : memref<10240x128xf32, #tpu.memory_space<vmem>>, vector<128x128xf32>
      %dot_general3A_127 = arith.constant dense<0.000000e+00> : vector<128x128xf32>
      %dot_general3A_128 = tpu.matmul %mul3A_116, %get3A_65, %dot_general3A_127 {dimension_numbers = #tpu.dot_dimension_numbers<[1], [0], [0], [1], [0, 0, 1, 1], [], []>, transpose_lhs_hint = false} : vector<128x3200xf32>, vector<3200x128xf32>, vector<128x128xf32> -> vector<128x128xf32>
      %add3A_129 = arith.addf %get3A_126, %dot_general3A_128 : vector<128x128xf32>
      %swap3A_130 = arith.index_cast %min3A_86 : i32 to index
      %swap3A_131 = arith.constant 0 : index
      %swap3A_132 = vector.load %arg5[%swap3A_130, %swap3A_131] : memref<10240x128xf32, #tpu.memory_space<vmem>>, vector<128x128xf32>
      tpu.vector_store %arg5[%swap3A_130, %swap3A_131], %add3A_129 {strides = array<i32>} : memref<10240x128xf32, #tpu.memory_space<vmem>>, vector<128x128xf32>,
    }
    %eq3A_76 = arith.constant 99 : i32
    %eq3A_77 = arith.cmpi eq, %arg0, %eq3A_76 : i32
    %convert_element_type3A_78 = arith.extui %eq3A_77 : i1 to i32
    %cond3A_79 = arith.constant 0 : i32
    %cond3A_80 = arith.cmpi ne, %convert_element_type3A_78, %cond3A_79 : i32
    scf.if %cond3A_80 {
      %get3A_81 = arith.constant 0 : index
      %get3A_82 = arith.constant 0 : index
      %get3A_83 = vector.load %arg6[%get3A_81, %get3A_82] : memref<10240x1xf32, #tpu.memory_space<vmem>>, vector<10240x1xf32>
      %gt3A = arith.constant 0.000000e+00 : f32
      %gt3A_84 = vector.broadcast %gt3A : f32 to vector<10240x1xf32>
      %gt3A_85 = arith.cmpf ogt, %get3A_83, %gt3A_84 : vector<10240x1xf32>
      %div3A_86 = arith.constant 1.000000e+00 : f32
      %div3A_87 = vector.broadcast %div3A_86 : f32 to vector<10240x1xf32>
      %div3A_88 = arith.divf %div3A_87, %get3A_83 : vector<10240x1xf32>
      %jit3A_89 = arith.constant 0.000000e+00 : f32
      %broadcast_in_dim3A_90 = vector.broadcast %jit3A_89 : f32 to vector<10240x1xf32>
      %select_n3A_91 = arith.select %gt3A_85, %div3A_88, %broadcast_in_dim3A_90 : vector<10240x1xi1>, vector<10240x1xf32>
      %get3A_92 = arith.constant 0 : index
      %get3A_93 = arith.constant 0 : index
      %get3A_94 = vector.load %arg5[%get3A_92, %get3A_93] : memref<10240x128xf32, #tpu.memory_space<vmem>>, vector<10240x128xf32>
      %mul3A_95 = vector.broadcast %select_n3A_91 : vector<10240x1xf32> to vector<10240x128xf32>
      %mul3A_96 = arith.mulf %get3A_94, %mul3A_95 : vector<10240x128xf32>
      %swap3A = arith.constant 0 : index
      %swap3A_97 = arith.constant 0 : index
      %swap3A_98 = vector.load %arg5[%swap3A, %swap3A_97] : memref<10240x128xf32, #tpu.memory_space<vmem>>, vector<10240x128xf32>
      tpu.vector_store %arg5[%swap3A, %swap3A_97], %mul3A_96 {strides = array<i32>} : memref<10240x128xf32, #tpu.memory_space<vmem>>, vector<10240x128xf32>,
    } else {
    }
    return
  }
  func.func @transform_0(%arg0: i32) -> (i32, i32, i32) {
    %c0_i32 = arith.constant 0 : i32
    %c0_i32_0 = arith.constant 0 : i32
    %c0_i32_1 = arith.constant 0 : i32
    return %arg0, %c0_i32, %c0_i32_0 : i32, i32, i32
  }
  func.func @transform_1(%arg0: i32) -> (i32, i32, i32) {
    %c0_i32 = arith.constant 0 : i32
    %c0_i32_0 = arith.constant 0 : i32
    %c0_i32_1 = arith.constant 0 : i32
    return %arg0, %c0_i32, %c0_i32_0 : i32, i32, i32
  }
  func.func @transform_2(%arg0: i32) -> (i32, i32) {
    %c0_i32 = arith.constant 0 : i32
    %c0_i32_0 = arith.constant 0 : i32
    return %arg0, %c0_i32 : i32, i32
  }
  func.func @transform_3(%arg0: i32) -> (i32, i32) {
    %c0_i32 = arith.constant 0 : i32
    %c0_i32_0 = arith.constant 0 : i32
    %c0_i32_1 = arith.constant 0 : i32
    return %c0_i32, %c0_i32_0 : i32, i32
  }
  func.func @transform_4(%arg0: i32) -> (i32, i32) {
    %c0_i32 = arith.constant 0 : i32
    %c0_i32_0 = arith.constant 0 : i32
    %c0_i32_1 = arith.constant 0 : i32
    return %c0_i32, %c0_i32_0 : i32, i32
  }
  func.func @transform_5(%arg0: i32) -> (i32, i32) {
    %c0_i32 = arith.constant 0 : i32
    %c0_i32_0 = arith.constant 0 : i32
    %c0_i32_1 = arith.constant 0 : i32
    return %c0_i32, %c0_i32_0 : i32, i32
  }
}

</mosaic_0001>

<sc_bundles>
// kernel: _run.5.cloned.1.call-start
scs
__scs_entry_jumppad:
0x0: {  	(pc) =	sbr.rel $0x88, $3  }
0x1: {  	(tag) =	ssettag $0x0;
	lr =	simm.s32 $0x1  }
0x2: {  	[smem:$0x3F9E] =	sst lr;
	_ =	strace $0xD0000000  }
0x3: {  	_ = 	snop  }
0x4: {  	_ = 	snop  }
0x5: {  	_ = 	snop  }
0x6: {  	_ = 	snop  }
0x7: {  	_ = 	snop  }
__scs_overlays_trampoline_lowered:
0x8: {  	[smem:$0x3FAD] =	sst s0  }
0x9: {  	[smem:$0x3FAE] =	sst s1  }
0xa: {  	[smem:$0x3FAF] =	sst s2  }
0xb: {  	[smem:$0x3FB0] =	sst s3  }
0xc: {  	[smem:$0x3FB1] =	sst s4  }
0xd: {  	[smem:$0x3FB2] =	sst s5  }
0xe: {  	[smem:$0x3FB3] =	sst s6  }
0xf: {  	[smem:$0x3FB4] =	sst s7  }
0x10: {  	[smem:$0x3FB5] =	sst s8  }
0x11: {  	[smem:$0x3FB6] =	sst s9;
	s0 =	simm.s32 @!p0 $0x0  }
0x12: {  	s1 =	sld [smem:$0x3F9C];
	s0 =	simm.s32 @p0 $0x1  }
0x13: {  	[smem:$0x3FB7] =	sst s0;
	s0 =	simm.s32 @!p1 $0x0  }
0x14: {  	s2 =	sld [smem:$0x3F9B];
	s0 =	simm.s32 @p1 $0x1  }
0x15: {  	[smem:$0x3FB8] =	sst s0;
	s0 =	simm.s32 @!p2 $0x0  }
0x16: {  	s3 =	sld [smem:$0x3FDB];
	s0 =	simm.s32 @p2 $0x1  }
0x17: {  	s4 =	simm.s32 $0x1BF5;
	[smem:$0x3FBA] =	sst s0  }
0x18: {  	s0 =	sld [smem:$0x3F9D];
	_ =	swait.ge [sflag:s4], $0x0  }
0x19: {  	s7 =	sld [smem:$0x3F9E]  }
0x1a: {  	s8 =	sadd.s32 $0xFFFFE003, lr  }
0x1b: {  	s9 =	sadd.s32 $0xFFFFFEF7, lr;
	s5 =	simm.s32 $0xFFFFFFFF;
	p2 =	slt.u32 s8, $0xFFFFF086  }
0x1c: {  	p1 =	slt.u32 s9, $0xF7A;
	s5 =	simm.s32 @!p2 $0x0  }
0x1d: {  	s5 =	simm.s32 @p1 $0x1;
	p0 =	seq.s32 s7, s2  }
0x1e: {  	s7 =	smul.u32 @!p0 $0xF7A, s2;
	p2 =	seq.s32 @!p0 s5, $0x0  }
0x1f: {  	s9 =	smul.u32 $0xF7A, s1;
	s8 =	simm.s32 @!p0 $0x1BF5;
	p2 =	por !p2, p0  }
0x20: {  	[sflag:s8] =	ssyncset.s32 @!p0 $0xFFFFF086;
	s6 =	sadd.s32 @!p0 s3, s7;
	s7 =	simm.s32 @!p0 $0x108  }
0x21: {  	s3 =	sadd.s32 s3, s9;
	s6 =	sadd.s32 @!p0 $0x88, s6;
	s7 =	simm.s32 @p2 $0x1082  }
0x22: {  	[simem:s7], [sflag:s8] =	dma.local @!p0 [hbm:s6], $0xF7A  }
0x23: {  	s9 =	sor.u32 $0xD0000000, s2;
	s6 =	simm.s32 $0x108;
	_ =	swait.ge @!p0 [sflag:s8], $0x0  }
0x24: {  	s3 =	sadd.s32 $0x88, s3;
	s6 =	simm.s32 @!p1 $0x1082;
	[sflag:s4] =	ssyncset.s32 $0xFFFFF086  }
0x25: {  	[simem:s6], [sflag:s4] =	dma.local [hbm:s3], $0xF7A  }
0x26: {  	[smem:$0x3F9E] =	sst s1;
	(tag) =	ssettag s2;
	_ =	strace s9  }
0x27: {  	s1 =	sld [smem:$0x3FAE]  }
0x28: {  	s2 =	sld [smem:$0x3FAF]  }
0x29: {  	s4 =	sld [smem:$0x3FB1]  }
0x2a: {  	p0 =	seq.s32 s5, $0x0;
	s5 =	sld [smem:$0x3FB2]  }
0x2b: {  	s6 =	sld [smem:$0x3FB3]  }
0x2c: {  	s7 =	sld [smem:$0x3FB4]  }
0x2d: {  	s3 =	simm.s32 $0x108;
	s8 =	sld [smem:$0x3FB5]  }
0x2e: {  	s3 =	simm.s32 @!p0 $0x1082;
	s9 =	sld [smem:$0x3FB6]  }
0x2f: {  	lr =	sadd.s32 s0, s3;
	s0 =	sld [smem:$0x3FAD]  }
0x30: {  	s3 =	sld [smem:$0x3FB0]  }
0x31: {  	[smem:$0x3FB9] =	sst s10  }
0x32: {  	s10 =	sld [smem:$0x3FB7];
	_ =	sdelay $0x3  }
0x33: {  	p0 =	seq.s32 s10, $0x1;
	s10 =	sld [smem:$0x3FB9];
	_ =	sdelay $0x3  }
0x34: {  	[smem:$0x3FB9] =	sst s10  }
0x35: {  	s10 =	sld [smem:$0x3FB8];
	_ =	sdelay $0x3  }
0x36: {  	p1 =	seq.s32 s10, $0x1;
	s10 =	sld [smem:$0x3FB9];
	_ =	sdelay $0x3  }
0x37: {  	[smem:$0x3FB9] =	sst s10  }
0x38: {  	s10 =	sld [smem:$0x3FBA]  }
0x39: {  	_ = 	snop;
	(pc) =	sbr.ind lr, $3  }
0x3a: {  	_ = 	snop  }
0x3b: {  	_ = 	snop  }
0x3c: {  	p2 =	seq.s32 s10, $0x1;
	s10 =	sld [smem:$0x3FB9]  }
0x3d: {  	_ =	shalt  }
0x3e: {  	_ =	shalt  }
0x3f: {  	_ =	shalt  }
0x40: {  	_ =	shalt  }
0x41: {  	_ =	shalt  }
0x42: {  	_ =	shalt  }
0x43: {  	_ =	shalt  }
0x44: {  	_ =	shalt  }
0x45: {  	_ =	shalt  }
0x46: {  	_ =	shalt  }
0x47: {  	_ =	shalt  }
0x48: {  	_ =	shalt  }
0x49: {  	_ =	shalt  }
0x4a: {  	_ =	shalt  }
0x4b: {  	_ =	shalt  }
0x4c: {  	_ =	shalt  }
0x4d: {  	_ =	shalt  }
0x4e: {  	_ =	shalt  }
0x4f: {  	_ =	shalt  }
0x50: {  	_ =	shalt  }
0x51: {  	_ =	shalt  }
0x52: {  	_ =	shalt  }
0x53: {  	_ =	shalt  }
0x54: {  	_ =	shalt  }
0x55: {  	_ =	shalt  }
0x56: {  	_ =	shalt  }
0x57: {  	_ =	shalt  }
0x58: {  	_ =	shalt  }
0x59: {  	_ =	shalt  }
0x5a: {  	_ =	shalt  }
0x5b: {  	_ =	shalt  }
0x5c: {  	_ =	shalt  }
0x5d: {  	_ =	shalt  }
0x5e: {  	_ =	shalt  }
0x5f: {  	_ =	shalt  }
0x60: {  	_ =	shalt  }
0x61: {  	_ =	shalt  }
0x62: {  	_ =	shalt  }
0x63: {  	_ =	shalt  }
0x64: {  	_ =	shalt  }
0x65: {  	_ =	shalt  }
0x66: {  	_ =	shalt  }
0x67: {  	_ =	shalt  }
0x68: {  	_ =	shalt  }
0x69: {  	_ =	shalt  }
0x6a: {  	_ =	shalt  }
0x6b: {  	_ =	shalt  }
0x6c: {  	_ =	shalt  }
0x6d: {  	_ =	shalt  }
0x6e: {  	_ =	shalt  }
0x6f: {  	_ =	shalt  }
0x70: {  	_ =	shalt  }
0x71: {  	_ =	shalt  }
0x72: {  	_ =	shalt  }
0x73: {  	_ =	shalt  }
0x74: {  	_ =	shalt  }
0x75: {  	_ =	shalt  }
0x76: {  	_ =	shalt  }
0x77: {  	_ =	shalt  }
0x78: {  	_ =	shalt  }
0x79: {  	_ =	shalt  }
0x7a: {  	_ =	shalt  }
0x7b: {  	_ =	shalt  }
0x7c: {  	_ =	shalt  }
0x7d: {  	_ =	shalt  }
0x7e: {  	_ =	shalt  }
0x7f: {  	_ =	shalt  }
0x80: {  	_ =	shalt  }
0x81: {  	_ =	shalt  }
0x82: {  	_ =	shalt  }
0x83: {  	_ =	shalt  }
0x84: {  	_ =	shalt  }
0x85: {  	_ =	shalt  }
0x86: {  	_ =	shalt  }
0x87: {  	_ =	shalt  }
.Lfunc_end0:
.L_simem_size_0:
called_computation_lowered:
.L_overlay_start_0:
0x88: {  	s2 =	sld [smem:$0x3FD9]  }
0x89: {  	s3 =	sld [smem:$0x3FFE];
	_ =	sdelay $0x1  }
0x8a: {  	s1 =	srdreg.scid  }
0x8b: {  	s0 =	sand.u32 $0x1, s1  }
0x8c: {  	s15 =	sshll.u32 s0, $0xA;
	s2 =	sadd.s32 s3, s2  }
0x8d: {  	s2 =	sadd.s32 s2, s15  }
0x8e: {  	[smem:$0x3FC5] =	sst s2  }
0x8f: {  	_ = 	snop  }
0x90: {  	s2 =	sld [smem:$0x3FD0];
	_ =	sdelay $0x1  }
0x91: {  	s16 =	sld [smem:$0x3FC9]  }
0x92: {  	s5 =	simm.s32 $0xA;
	s6 =	simm.s32 $0x10;
	s4 =	sld [smem:$0x3FC7]  }
0x93: {  	[smem:s6], [sflag:s5] =	dma.local [hbm:s2], $0x1  }
0x94: {  	_ =	swait.eq [sflag:s5], $0x1  }
0x95: {  	[sflag:s5] =	ssyncset.done $0x0  }
0x96: {  	[sflag:s5] =	ssyncadd.s32 $0xFFFFFFFF  }
0x97: {  	s17 =	sld [smem:$0x10];
	(tm) =	ssettm $0x1  }
0x98: {  	s18 =	sld [smem:$0x3FFB];
	_ =	sdelay $0x3  }
0x99: {  	_ =	strace s18  }
0x9a: {  	s5 =	sld [smem:$0x3FFC];
	_ =	sdelay $0x3  }
0x9b: {  	_ =	strace s5  }
0x9c: {  	s5 =	sld [smem:$0x3FFD];
	_ =	sdelay $0x3  }
0x9d: {  	_ =	strace s5  }
0x9e: {  	_ =	strace $0x8FFFFFFF  }
0x9f: {  	s19 =	sld [smem:$0x3FDB];
	_ =	sdelay $0x1  }
0xa0: {  	s20 =	simm.s32 $_scs_section_size  }
0xa1: {  	s7 =	simm.s32 $_size__tile_overlayer_lowered;
	s8 =	simm.s32 $_tile_overlayer_lowered  }
0xa2: {  	s23 =	simm.s32 $0x1BFF;
	s22 =	sshll.u32 s8, $0x1;
	s5 =	sadd.s32 s20, s19  }
0xa3: {  	s9 =	simm.s32 $0x0;
	s21 =	sshll.u32 s7, $0x1;
	s7 =	sadd.s32 s22, s5  }
0xa4: {  	[timem:s9], [sflag:s23] =	dma.local [hbm:s7], s21  }
0xa5: {  	_ =	swait.ge [sflag:s23], s21  }
0xa6: {  	s6 =	ssub.s32 $0x0, s21;
	[sflag:s23] =	ssyncset.done $0x0  }
0xa7: {  	[sflag:s23] =	ssyncadd.s32 s6;
	_ =	sdelay $0x1  }
0xa8: {  	s24 =	simm.s32 $0x1B8B  }
0xa9: {  	_ =	swait.ge [sflag:s24], $0x1  }
0xaa: {  	[sflag:s24] =	ssyncset.done $0x0  }
0xab: {  	s25 =	simm.s32 $0x1B8E;
	[sflag:s24] =	ssyncadd.s32 $0xFFFFFFFF  }
0xac: {  	s26 =	simm.s32 $execute0_lowered;
	[smem:$0x3FD2] =	sst s25  }
0xad: {  	s6 =	sshll.u32 s26, $0x1;
	_ =	strace $0x80000046;
	[dreg:$0x1] =	wrdreg $0xFFFFFFFF  }
0xae: {  	s28 =	simm.s32 $_size_execute0_lowered;
	s5 =	sadd.s32 s5, s6;
	[dreg:$0x0] =	wrdreg $0x0  }
0xaf: {  	s6 =	sshll.u32 s28, $0x1;
	[dreg:$0x2] =	wrdreg s5  }
0xb0: {  	[dreg:$0x3] =	wrdreg s6  }
0xb1: {  	[dreg:$0x4] =	wrdreg $0xC0  }
0xb2: {  	_ =	task [dreg:s9], $0x5FFFF  }
0xb3: {  	[dreg:$0x1] =	wrdreg $0xFFFFFFFF  }
0xb4: {  	[dreg:$0x0] =	wrdreg $0x60  }
0xb5: {  	[dreg:$0x2] =	wrdreg s16  }
0xb6: {  	[dreg:$0x3] =	wrdreg s4  }
0xb7: {  	[dreg:$0x4] =	wrdreg s17  }
0xb8: {  	[dreg:$0x5] =	wrdreg $0x9  }
0xb9: {  	_ =	task.clear_ibuf [dreg:s9], $0x6FFFF;
	_ =	strace $0x90000046  }
0xba: {  	s29 =	simm.s32 $0x9;
	_ =	strace $0x80000048  }
0xbb: {  	_ =	swait.ge [sflag:s29], $0x1  }
0xbc: {  	[sflag:s29] =	ssyncadd.s32 $0xFFFFFFFF  }
0xbd: {  	_ =	strace $0x90000048  }
0xbe: {  	_ =	sfence  }
0xbf: {  	s30 =	sld [smem:$0x0];
	_ =	sdelay $0x2  }
0xc0: {  	s31 =	sshll.u32 s1, $0xD;
	s1 =	sshrl.u32 s1, $0x2  }
0xc1: {  	s3 =	sand.u32 $0x4000, s31;
	s1 =	sadd.s32 s1, s30  }
0xc2: {  	s0 =	sor.u32 s3, s0;
	s1 =	sshll.u32 s1, $0x11  }
0xc3: {  	s0 =	sor.u32 s1, s0  }
0xc4: {  	s0 =	sadd.s32 $0x8F2B, s0  }
0xc5: {  	[sflag:s0] =	ssyncadd.remote.s32 $0x1  }
0xc6: {  	_ =	sfence.sel $0xFFFF  }
0xc7: {  	[dreg:$0x0] =	wrdreg $0xFFFFFFFF;
	(pc) =	sbr.abs _section_cstart, $3  }
0xc8: {  	[dreg:$0x1] =	wrdreg $0xFFFFFFFF  }
0xc9: {  	_ =	task.clear_ibuf [dreg:s9], $0x2FFFF;
	_ =	strace $0x9FFFFFFF  }
0xca: {  	(tm) =	ssettm $0x7FFFFFFF  }
0xcb: {  	_ =	shalt  }
tec
execute0_lowered:
.L_overlay_start_1:
0x0: {  	(tag) =	ssettag $0x1  }
0x1: {  	v0 =	vimm.s32 $0xFFEDCBA9;
	v1 =	vimm.s32 $0x87654321  }
0x2: {  	v0 =	vunpack.c.l.s4.s8 v0;
	v1 =	vunpack.c.l.s4.s8 v1  }
0x3: {  	v2 =	vimm.s32 $0x65432100;
	v3 =	vimm.s32 $0xEDCBA987;
	v4 =	vimm.s32 $0xDCBA9876  }
0x4: {  	v2 =	vunpack.c.l.s4.s8 v2;
	v0 =	vunpack.c.0.s8.s32 v0;
	v1 =	vunpack.c.0.s8.s32 v1  }
0x5: {  	v5 =	vimm.s32 $0xBA987654;
	v7 =	vimm.s32 $0x54321000;
	v3 =	vunpack.c.l.s4.s8 v3  }
0x6: {  	v9 =	vimm.s32 $0xFEDCBA98;
	v6 =	vcombine.low v1, v0;
	v0 =	vunpack.c.0.s8.s32 v2  }
0x7: {  	v1 =	vimm.s32 $0xFFFEDCBA;
	v2 =	vunpack.c.0.s8.s32 v3;
	v3 =	vimm.s32 $0x98765432  }
0x8: {  	v4 =	vunpack.c.l.s4.s8 v4;
	v1 =	vunpack.c.l.s4.s8 v1;
	v3 =	vunpack.c.l.s4.s8 v3  }
0x9: {  	v5 =	vunpack.c.l.s4.s8 v5;
	v7 =	vunpack.c.l.s4.s8 v7;
	v9 =	vunpack.c.l.s4.s8 v9  }
0xa: {  	v2 =	vand.u32 $0xF, v2;
	v1 =	vunpack.c.0.s8.s32 v1;
	v3 =	vunpack.c.0.s8.s32 v3  }
0xb: {  	v4 =	vunpack.c.0.s8.s32 v4;
	v5 =	vunpack.c.0.s8.s32 v5;
	v0 =	vcombine.low v0, v2  }
0xc: {  	s3 =	rddreg [dreg:$0x0];
	v2 =	vunpack.c.0.s8.s32 v7;
	v7 =	vimm.s32 $0xE40000;
	v8 =	vcombine.low v3, v1  }
0xd: {  	s4 =	rddreg [dreg:$0x1];
	v3 =	vand.u32 $0xF, v4;
	v4 =	vand.u32 $0xF, v5;
	v5 =	vimm.s32 $0x32100000  }
0xe: {  	vm0 =	vcmask $0x1F00;
	s1 =	srdreg.scid;
	s0 =	stileid.u32;
	v7 =	vunpack.c.l.s2.s4 v7;
	v5 =	vunpack.c.l.s4.s8 v5  }
0xf: {  	s5 =	rddreg [dreg:$0x2];
	vm1 =	vcmask $0x2F20;
	vm15 =	vcmask $0x3F30;
	s6 =	sand.u32 $0x1, s1;
	s7 =	sshll.u32 s0, $0x1;
	v9 =	vunpack.c.0.s8.s32 v9  }
0x10: {  	s2 =	simm.s32 $0x0;
	s10 =	simm.s32 $0x0;
	s7 =	sor.u32 s6, s7;
	v1 =	vimm.s32 $0xF0E0D0C;
	v7 =	vunpack.c.l.s4.s8 v7;
	v5 =	vunpack.c.0.s8.s32 v5  }
0x11: {  	s1 =	rddreg [dreg:$0x3];
	s6 =	ssub.s32 $0x2, s6;
	s8 =	smul.u32 $0x4E2, s7;
	v10 =	vnsel vm0, $0xF, v4;
	v1 =	vunpack.c.0.s8.s32 v1;
	v2 =	vcombine.low v2, v3  }
0x12: {  	[smem:$0x7FF] =	sst s2;
	s9 =	sshrl.u32 s6, $0x1;
	s7 =	smul.u32 $0x500, s7;
	v7 =	vunpack.c.0.s8.s32 v7;
	v3 =	vcombine.low v5, v4;
	v5 =	vimm.s32 $0x7060504  }
0x13: {  	_ =	strace $0x80000047;
	s6 =	ssub.s32 s6, s9;
	s9 =	simm.s32 $0x4F00;
	v9 =	vand.u32 $0xF, v9;
	v1 =	vsel vm1, v1, v10;
	v10 =	vunpack.c.0.s8.s32 v5  }
0x14: {  	s3 =	sadd.s32 s3, s8;
	s4 =	sadd.s32 s4, s8;
	s5 =	sadd.s32 s5, s7;
	v6 =	vand.u32 $0xF, v6;
	v5 =	vnsel vm0, $0xF, v9;
	v9 =	vand.u32 $0x3, v7  }
0x15: {  	s6 =	smax.u32 s6, $0x1;
	s7 =	simm.s32 $0x1;
	s8 =	simm.s32 $0x2780;
	v4 =	vimm.f32 $0.0e+00;
	v7 =	vand.u32 $0xF, v8;
	v8 =	vsel vm15, v10, v9  }
.LBB2_1:
0x16: {  	[tilespmem:s2], [sflag:$0x1] =	stream.linear.gather [hbm4b:s3+s2], $0x2710, $0x38;
	[tilespmem:$0x7700] =	vst v63  }
0x17: {  	_ =	swait.ge [sflag:s7], $0x2710  }
0x18: {  	[sflag:s7] =	ssyncset.done $0x0  }
0x19: {  	[sflag:s7] =	ssyncadd.s32 $0xFFFFD8F0  }
0x1a: {  	[tilespmem:s8], [sflag:$0x1] =	stream.linear.gather [hbm4b:s4+s2], $0x2710, $0x38;
	[tilespmem:$0x7700] =	vst v63  }
0x1b: {  	_ =	swait.ge [sflag:s7], $0x2710  }
0x1c: {  	[sflag:s7] =	ssyncset.done $0x0  }
0x1d: {  	s11 =	simm.s32 $0x0;
	[sflag:s7] =	ssyncadd.s32 $0xFFFFD8F0  }
.LBB2_2:
0x1e: {  	p0 =	sne.s32 s11, $0x9FC0  }
.Ltmp0:
0x1f: {  	_ = 	snop;
	(pc) =	sbr.rel @p0 .LBB2_2-.Ltmp0, $3  }
0x20: {  	_ =	sdelay $0x1  }
0x21: {  	s12 =	sshra.s32 s11, $0x2  }
0x22: {  	s11 =	sadd.s32 $0x40, s11;
	[tilespmem:s12+$0x4F00] =	vst v4  }
0x23: {  	s12 =	simm.s32 $0x0;
	s11 =	simm.s32 $0x40  }
.LBB2_4:
0x24: {  	p0 =	sne.s32 s11, $0x9C00;
	v9 =	vld [tilespmem:s12+$0x0]  }
0x25: {  	v10 =	vld [tilespmem:s12+$0x2780];
	_ =	sdelay $0x3  }
0x26: {  	v11 =	vperm.xlane v9, v6  }
0x27: {  	v13 =	vperm.xlane v9, v0;
	v12 =	vperm.xlane v10, v6  }
0x28: {  	v14 =	vperm.xlane v10, v0;
	vm0 =	veq.s32 v11, v9  }
0x29: {  	v11 =	vnsel vm0, $0x0, v12;
	vm0 =	veq.s32 v13, v9  }
0x2a: {  	v10 =	vmax.f32 v10, v11;
	v11 =	vnsel vm0, $0x0, v14  }
0x2b: {  	v10 =	vmax.f32 v10, v11;
	v11 =	vperm.xlane v9, v7  }
0x2c: {  	v13 =	vperm.xlane v9, v2;
	v12 =	vperm.xlane v10, v7  }
0x2d: {  	v14 =	vperm.xlane v10, v2;
	vm0 =	veq.s32 v11, v9  }
0x2e: {  	v11 =	vnsel vm0, $0x0, v12;
	vm0 =	veq.s32 v13, v9  }
0x2f: {  	v10 =	vmax.f32 v10, v11;
	v11 =	vnsel vm0, $0x0, v14  }
0x30: {  	v10 =	vmax.f32 v10, v11;
	v11 =	vperm.xlane v9, v1  }
0x31: {  	v13 =	vperm.xlane v9, v3;
	v12 =	vperm.xlane v10, v1  }
0x32: {  	v14 =	vperm.xlane v10, v3;
	vm0 =	veq.s32 v11, v9  }
0x33: {  	v11 =	vnsel vm0, $0x0, v12;
	vm0 =	veq.s32 v13, v9  }
0x34: {  	v10 =	vmax.f32 v10, v11;
	v11 =	vnsel vm0, $0x0, v14  }
0x35: {  	v10 =	vmax.f32 v10, v11;
	v11 =	vperm.xlane v9, v5;
	v12 =	vld.idx.msk [tilespmem:v9+s9+$0x0], $0xffff  }
0x36: {  	v14 =	vperm.xlane v9, v8;
	v13 =	vperm.xlane v10, v5  }
0x37: {  	v15 =	vperm.xlane v10, v8;
	vm0 =	veq.s32 v11, v9  }
.Ltmp1:
0x38: {  	v11 =	vnsel vm0, $0x0, v13;
	vm0 =	veq.s32 v14, v9;
	(pc) =	sbr.rel @p0 .LBB2_4-.Ltmp1, $4  }
0x39: {  	v10 =	vmax.f32 v10, v11;
	v11 =	vnsel vm0, $0x0, v15  }
0x3a: {  	v10 =	vmax.f32 v10, v11  }
0x3b: {  	v10 =	vmax.f32 v12, v10  }
0x3c: {  	s12 =	sshra.s32 s11, $0x2;
	s11 =	sadd.s32 $0x40, s11;
	[tilespmem:v9+s9+$0x0] =	vst.idx.msk $0xffff, v10  }
0x3d: {  	v9 =	vld [tilespmem:s12+$0x0]  }
0x3e: {  	v10 =	vld [tilespmem:s12+$0x2780];
	_ =	sdelay $0x3  }
0x3f: {  	v11 =	vperm.xlane v9, v6  }
0x40: {  	v12 =	vperm.xlane v10, v6;
	v13 =	vperm.xlane v9, v0  }
0x41: {  	v14 =	vperm.xlane v10, v0;
	vm0 =	veq.s32 v11, v9  }
0x42: {  	vm9 =	veq.s32 v13, v9;
	v11 =	vnsel vm0, $0x0, v12  }
0x43: {  	v10 =	vmax.f32 v10, v11;
	v11 =	vnsel vm9, $0x0, v14  }
0x44: {  	v10 =	vmax.f32 v10, v11;
	v11 =	vperm.xlane v9, v7  }
0x45: {  	v56 =	vperm.xlane v9, v2;
	v55 =	vperm.xlane v10, v7  }
0x46: {  	v57 =	vperm.xlane v10, v2;
	vm10 =	veq.s32 v11, v9  }
0x47: {  	vm11 =	veq.s32 v56, v9;
	v11 =	vnsel vm10, $0x0, v55  }
0x48: {  	v10 =	vmax.f32 v10, v11;
	v11 =	vnsel vm11, $0x0, v57  }
0x49: {  	v10 =	vmax.f32 v10, v11;
	v11 =	vperm.xlane v9, v1  }
0x4a: {  	v59 =	vperm.xlane v9, v3;
	v58 =	vperm.xlane v10, v1  }
0x4b: {  	v60 =	vperm.xlane v10, v3;
	vm12 =	veq.s32 v11, v9  }
0x4c: {  	vm13 =	veq.s32 v59, v9;
	v11 =	vnsel vm12, $0x0, v58  }
0x4d: {  	v10 =	vmax.f32 v10, v11;
	v11 =	vnsel vm13, $0x0, v60  }
0x4e: {  	v10 =	vmax.f32 v10, v11;
	v11 =	vperm.xlane v9, v5  }
0x4f: {  	v63 =	vperm.xlane v9, v8;
	v61 =	vld.idx.msk [tilespmem:v9+s9+$0x0], $0xffff;
	v62 =	vperm.xlane v10, v5  }
0x50: {  	v15 =	vperm.xlane v10, v8;
	vm14 =	veq.s32 v11, v9  }
0x51: {  	vm15 =	veq.s32 v63, v9;
	v11 =	vnsel vm14, $0x0, v62  }
0x52: {  	v10 =	vmax.f32 v10, v11;
	v11 =	vnsel vm15, $0x0, v15  }
0x53: {  	s10 =	sadd.s32 $0x1, s10;
	v10 =	vmax.f32 v10, v11  }
0x54: {  	p0 =	sne.s32 s10, s6;
	v10 =	vmax.f32 v61, v10  }
.Ltmp2:
0x55: {  	[tilespmem:v9+s9+$0x0] =	vst.idx.msk $0xffff, v10;
	(pc) =	sbr.rel @p0 .LBB2_1-.Ltmp2, $4  }
0x56: {  	[hbm4b:s5+s2] =	stream.linear.scatter [tilespmem:s9], [sflag:$0x1], $0x2800, $0x38;
	[tilespmem:$0x7700] =	vst v63  }
0x57: {  	_ =	swait.ge [sflag:s7], $0x2800  }
0x58: {  	[sflag:s7] =	ssyncset.done $0x0  }
0x59: {  	[sflag:s7] =	ssyncadd.s32 $0xFFFFD800  }
0x5a: {  	_ =	sfence.sel $0x180000  }
0x5b: {  	[bflag:$0x0] =	sbarrier.arrive $0xFFFF  }
0x5c: {  	p0 =	sne.s32 s0, $0x0;
	_ =	strace $0x90000047  }
0x5d: {  	s0 =	sadd.s32 @!p0 $0x100000, s1;
	[bflag:$0x2] =	sbarrier.arrive $0xFFFF  }
0x5e: {  	[sflag:s0] =	ssyncadd.tile.s32 @!p0 $0x1;
	_ =	shalt  }
.Lfunc_end2:
_tile_overlayer_lowered:
.L_overlay_start_2:
0x5f: {  	(tag) =	ssettag $0x2  }
0x60: {  	s0 =	rddreg [dreg:$0x0];
	s2 =	stileid.u32  }
0x61: {  	s1 =	rddreg [dreg:$0x1];
	p0 =	sne.s32 s2, $0x0  }
0x62: {  	s3 =	rddreg [dreg:$0x2];
	[bflag:$0x3] =	sbarrier.arrive $0xFFFF;
	s2 =	simm.s32 @!p0 $0x1C01  }
0x63: {  	[timem:s3], [sflag:s2] =	dma.local @!p0 [hbm:s0], s1  }
0x64: {  	s0 =	simm.s32 @!p0 $0x1  }
0x65: {  	_ =	swait.ge @!p0 [sflag:s0], s1  }
0x66: {  	s1 =	ssub.s32 @!p0 $0x0, s1;
	[sflag:s0] =	ssyncset.done @!p0 $0x0  }
0x67: {  	[sflag:s0] =	ssyncadd.s32 @!p0 s1  }
0x68: {  	[bflag:$0x3] =	sbarrier.arrive $0xFFFF  }
0x69: {  	_ =	shalt  }

// kernel: _run.8.cloned.1.call-start
scs
__scs_entry_jumppad:
0x0: {  	(pc) =	sbr.rel $0x88, $3  }
0x1: {  	(tag) =	ssettag $0x0;
	lr =	simm.s32 $0x1  }
0x2: {  	[smem:$0x3F9E] =	sst lr;
	_ =	strace $0xD0000000  }
0x3: {  	_ = 	snop  }
0x4: {  	_ = 	snop  }
0x5: {  	_ = 	snop  }
0x6: {  	_ = 	snop  }
0x7: {  	_ = 	snop  }
__scs_overlays_trampoline_lowered:
0x8: {  	[smem:$0x3FAD] =	sst s0  }
0x9: {  	[smem:$0x3FAE] =	sst s1  }
0xa: {  	[smem:$0x3FAF] =	sst s2  }
0xb: {  	[smem:$0x3FB0] =	sst s3  }
0xc: {  	[smem:$0x3FB1] =	sst s4  }
0xd: {  	[smem:$0x3FB2] =	sst s5  }
0xe: {  	[smem:$0x3FB3] =	sst s6  }
0xf: {  	[smem:$0x3FB4] =	sst s7  }
0x10: {  	[smem:$0x3FB5] =	sst s8  }
0x11: {  	[smem:$0x3FB6] =	sst s9;
	s0 =	simm.s32 @!p0 $0x0  }
0x12: {  	s1 =	sld [smem:$0x3F9C];
	s0 =	simm.s32 @p0 $0x1  }
0x13: {  	[smem:$0x3FB7] =	sst s0;
	s0 =	simm.s32 @!p1 $0x0  }
0x14: {  	s2 =	sld [smem:$0x3F9B];
	s0 =	simm.s32 @p1 $0x1  }
0x15: {  	[smem:$0x3FB8] =	sst s0;
	s0 =	simm.s32 @!p2 $0x0  }
0x16: {  	s3 =	sld [smem:$0x3FDB];
	s0 =	simm.s32 @p2 $0x1  }
0x17: {  	s4 =	simm.s32 $0x1BF5;
	[smem:$0x3FBA] =	sst s0  }
0x18: {  	s0 =	sld [smem:$0x3F9D];
	_ =	swait.ge [sflag:s4], $0x0  }
0x19: {  	s7 =	sld [smem:$0x3F9E]  }
0x1a: {  	s8 =	sadd.s32 $0xFFFFE003, lr  }
0x1b: {  	s9 =	sadd.s32 $0xFFFFFEF7, lr;
	s5 =	simm.s32 $0xFFFFFFFF;
	p2 =	slt.u32 s8, $0xFFFFF086  }
0x1c: {  	p1 =	slt.u32 s9, $0xF7A;
	s5 =	simm.s32 @!p2 $0x0  }
0x1d: {  	s5 =	simm.s32 @p1 $0x1;
	p0 =	seq.s32 s7, s2  }
0x1e: {  	s7 =	smul.u32 @!p0 $0xF7A, s2;
	p2 =	seq.s32 @!p0 s5, $0x0  }
0x1f: {  	s9 =	smul.u32 $0xF7A, s1;
	s8 =	simm.s32 @!p0 $0x1BF5;
	p2 =	por !p2, p0  }
0x20: {  	[sflag:s8] =	ssyncset.s32 @!p0 $0xFFFFF086;
	s6 =	sadd.s32 @!p0 s3, s7;
	s7 =	simm.s32 @!p0 $0x108  }
0x21: {  	s3 =	sadd.s32 s3, s9;
	s6 =	sadd.s32 @!p0 $0x88, s6;
	s7 =	simm.s32 @p2 $0x1082  }
0x22: {  	[simem:s7], [sflag:s8] =	dma.local @!p0 [hbm:s6], $0xF7A  }
0x23: {  	s9 =	sor.u32 $0xD0000000, s2;
	s6 =	simm.s32 $0x108;
	_ =	swait.ge @!p0 [sflag:s8], $0x0  }
0x24: {  	s3 =	sadd.s32 $0x88, s3;
	s6 =	simm.s32 @!p1 $0x1082;
	[sflag:s4] =	ssyncset.s32 $0xFFFFF086  }
0x25: {  	[simem:s6], [sflag:s4] =	dma.local [hbm:s3], $0xF7A  }
0x26: {  	[smem:$0x3F9E] =	sst s1;
	(tag) =	ssettag s2;
	_ =	strace s9  }
0x27: {  	s1 =	sld [smem:$0x3FAE]  }
0x28: {  	s2 =	sld [smem:$0x3FAF]  }
0x29: {  	s4 =	sld [smem:$0x3FB1]  }
0x2a: {  	p0 =	seq.s32 s5, $0x0;
	s5 =	sld [smem:$0x3FB2]  }
0x2b: {  	s6 =	sld [smem:$0x3FB3]  }
0x2c: {  	s7 =	sld [smem:$0x3FB4]  }
0x2d: {  	s3 =	simm.s32 $0x108;
	s8 =	sld [smem:$0x3FB5]  }
0x2e: {  	s3 =	simm.s32 @!p0 $0x1082;
	s9 =	sld [smem:$0x3FB6]  }
0x2f: {  	lr =	sadd.s32 s0, s3;
	s0 =	sld [smem:$0x3FAD]  }
0x30: {  	s3 =	sld [smem:$0x3FB0]  }
0x31: {  	[smem:$0x3FB9] =	sst s10  }
0x32: {  	s10 =	sld [smem:$0x3FB7];
	_ =	sdelay $0x3  }
0x33: {  	p0 =	seq.s32 s10, $0x1;
	s10 =	sld [smem:$0x3FB9];
	_ =	sdelay $0x3  }
0x34: {  	[smem:$0x3FB9] =	sst s10  }
0x35: {  	s10 =	sld [smem:$0x3FB8];
	_ =	sdelay $0x3  }
0x36: {  	p1 =	seq.s32 s10, $0x1;
	s10 =	sld [smem:$0x3FB9];
	_ =	sdelay $0x3  }
0x37: {  	[smem:$0x3FB9] =	sst s10  }
0x38: {  	s10 =	sld [smem:$0x3FBA]  }
0x39: {  	_ = 	snop;
	(pc) =	sbr.ind lr, $3  }
0x3a: {  	_ = 	snop  }
0x3b: {  	_ = 	snop  }
0x3c: {  	p2 =	seq.s32 s10, $0x1;
	s10 =	sld [smem:$0x3FB9]  }
0x3d: {  	_ =	shalt  }
0x3e: {  	_ =	shalt  }
0x3f: {  	_ =	shalt  }
0x40: {  	_ =	shalt  }
0x41: {  	_ =	shalt  }
0x42: {  	_ =	shalt  }
0x43: {  	_ =	shalt  }
0x44: {  	_ =	shalt  }
0x45: {  	_ =	shalt  }
0x46: {  	_ =	shalt  }
0x47: {  	_ =	shalt  }
0x48: {  	_ =	shalt  }
0x49: {  	_ =	shalt  }
0x4a: {  	_ =	shalt  }
0x4b: {  	_ =	shalt  }
0x4c: {  	_ =	shalt  }
0x4d: {  	_ =	shalt  }
0x4e: {  	_ =	shalt  }
0x4f: {  	_ =	shalt  }
0x50: {  	_ =	shalt  }
0x51: {  	_ =	shalt  }
0x52: {  	_ =	shalt  }
0x53: {  	_ =	shalt  }
0x54: {  	_ =	shalt  }
0x55: {  	_ =	shalt  }
0x56: {  	_ =	shalt  }
0x57: {  	_ =	shalt  }
0x58: {  	_ =	shalt  }
0x59: {  	_ =	shalt  }
0x5a: {  	_ =	shalt  }
0x5b: {  	_ =	shalt  }
0x5c: {  	_ =	shalt  }
0x5d: {  	_ =	shalt  }
0x5e: {  	_ =	shalt  }
0x5f: {  	_ =	shalt  }
0x60: {  	_ =	shalt  }
0x61: {  	_ =	shalt  }
0x62: {  	_ =	shalt  }
0x63: {  	_ =	shalt  }
0x64: {  	_ =	shalt  }
0x65: {  	_ =	shalt  }
0x66: {  	_ =	shalt  }
0x67: {  	_ =	shalt  }
0x68: {  	_ =	shalt  }
0x69: {  	_ =	shalt  }
0x6a: {  	_ =	shalt  }
0x6b: {  	_ =	shalt  }
0x6c: {  	_ =	shalt  }
0x6d: {  	_ =	shalt  }
0x6e: {  	_ =	shalt  }
0x6f: {  	_ =	shalt  }
0x70: {  	_ =	shalt  }
0x71: {  	_ =	shalt  }
0x72: {  	_ =	shalt  }
0x73: {  	_ =	shalt  }
0x74: {  	_ =	shalt  }
0x75: {  	_ =	shalt  }
0x76: {  	_ =	shalt  }
0x77: {  	_ =	shalt  }
0x78: {  	_ =	shalt  }
0x79: {  	_ =	shalt  }
0x7a: {  	_ =	shalt  }
0x7b: {  	_ =	shalt  }
0x7c: {  	_ =	shalt  }
0x7d: {  	_ =	shalt  }
0x7e: {  	_ =	shalt  }
0x7f: {  	_ =	shalt  }
0x80: {  	_ =	shalt  }
0x81: {  	_ =	shalt  }
0x82: {  	_ =	shalt  }
0x83: {  	_ =	shalt  }
0x84: {  	_ =	shalt  }
0x85: {  	_ =	shalt  }
0x86: {  	_ =	shalt  }
0x87: {  	_ =	shalt  }
.Lfunc_end0:
.L_simem_size_0:
called_computation.1_lowered:
.L_overlay_start_0:
0x88: {  	s2 =	sld [smem:$0x3FD9]  }
0x89: {  	s3 =	sld [smem:$0x3FFE];
	_ =	sdelay $0x1  }
0x8a: {  	s1 =	srdreg.scid  }
0x8b: {  	s0 =	sand.u32 $0x1, s1  }
0x8c: {  	s15 =	sshll.u32 s0, $0xA;
	s2 =	sadd.s32 s3, s2  }
0x8d: {  	s2 =	sadd.s32 s2, s15  }
0x8e: {  	[smem:$0x3FC5] =	sst s2  }
0x8f: {  	_ = 	snop  }
0x90: {  	s2 =	sld [smem:$0x3FD0];
	_ =	sdelay $0x2  }
0x91: {  	s16 =	simm.s32 $0xA;
	s4 =	simm.s32 $0x10  }
0x92: {  	[smem:s4], [sflag:s16] =	dma.local [hbm:s2], $0x1  }
0x93: {  	_ =	swait.eq [sflag:s16], $0x1  }
0x94: {  	[sflag:s16] =	ssyncset.done $0x0  }
0x95: {  	s17 =	sld [smem:$0x10];
	[sflag:s16] =	ssyncadd.s32 $0xFFFFFFFF  }
0x96: {  	s18 =	sld [smem:$0x11];
	(tm) =	ssettm $0x1  }
0x97: {  	s19 =	sld [smem:$0x3FFB];
	_ =	sdelay $0x3  }
0x98: {  	_ =	strace s19  }
0x99: {  	s4 =	sld [smem:$0x3FFC];
	_ =	sdelay $0x3  }
0x9a: {  	_ =	strace s4  }
0x9b: {  	s4 =	sld [smem:$0x3FFD];
	_ =	sdelay $0x3  }
0x9c: {  	_ =	strace s4  }
0x9d: {  	_ =	strace $0x8FFFFFFF  }
0x9e: {  	s20 =	sld [smem:$0x3FDB];
	_ =	sdelay $0x1  }
0x9f: {  	s5 =	simm.s32 $_scs_section_size  }
0xa0: {  	s6 =	simm.s32 $_size__tile_overlayer_lowered;
	s7 =	simm.s32 $_tile_overlayer_lowered  }
0xa1: {  	s23 =	simm.s32 $0x1BFF;
	s22 =	sshll.u32 s7, $0x1;
	s4 =	sadd.s32 s5, s20  }
0xa2: {  	s8 =	simm.s32 $0x0;
	s21 =	sshll.u32 s6, $0x1;
	s6 =	sadd.s32 s22, s4  }
0xa3: {  	[timem:s8], [sflag:s23] =	dma.local [hbm:s6], s21  }
0xa4: {  	_ =	swait.ge [sflag:s23], s21  }
0xa5: {  	s5 =	ssub.s32 $0x0, s21;
	[sflag:s23] =	ssyncset.done $0x0  }
0xa6: {  	[sflag:s23] =	ssyncadd.s32 s5;
	_ =	sdelay $0x1  }
0xa7: {  	s24 =	simm.s32 $0x1B8B  }
0xa8: {  	_ =	swait.ge [sflag:s24], $0x1  }
0xa9: {  	[sflag:s24] =	ssyncset.done $0x0  }
0xaa: {  	s25 =	simm.s32 $0x1B8E;
	[sflag:s24] =	ssyncadd.s32 $0xFFFFFFFF  }
0xab: {  	s26 =	simm.s32 $execute0_lowered;
	[smem:$0x3FD2] =	sst s25  }
0xac: {  	s5 =	sshll.u32 s26, $0x1;
	_ =	strace $0x80000049;
	[dreg:$0x1] =	wrdreg $0xFFFFFFFF  }
0xad: {  	s28 =	simm.s32 $_size_execute0_lowered;
	s4 =	sadd.s32 s4, s5;
	[dreg:$0x0] =	wrdreg $0x0  }
0xae: {  	s5 =	sshll.u32 s28, $0x1;
	[dreg:$0x2] =	wrdreg s4  }
0xaf: {  	[dreg:$0x3] =	wrdreg s5  }
0xb0: {  	[dreg:$0x4] =	wrdreg $0xC0  }
0xb1: {  	_ =	task [dreg:s8], $0x5FFFF  }
0xb2: {  	[dreg:$0x1] =	wrdreg $0xFFFFFFFF  }
0xb3: {  	[dreg:$0x0] =	wrdreg $0x60  }
0xb4: {  	[dreg:$0x2] =	wrdreg s17  }
0xb5: {  	[dreg:$0x3] =	wrdreg s18  }
0xb6: {  	[dreg:$0x4] =	wrdreg $0x9  }
0xb7: {  	_ =	task.clear_ibuf [dreg:s8], $0x5FFFF;
	_ =	strace $0x90000049  }
0xb8: {  	s29 =	simm.s32 $0x9;
	_ =	strace $0x8000004B  }
0xb9: {  	_ =	swait.ge [sflag:s29], $0x1  }
0xba: {  	[sflag:s29] =	ssyncadd.s32 $0xFFFFFFFF  }
0xbb: {  	_ =	strace $0x9000004B  }
0xbc: {  	_ =	sfence  }
0xbd: {  	s30 =	sld [smem:$0x0];
	_ =	sdelay $0x2  }
0xbe: {  	s31 =	sshll.u32 s1, $0xD;
	s1 =	sshrl.u32 s1, $0x2  }
0xbf: {  	s3 =	sand.u32 $0x4000, s31;
	s1 =	sadd.s32 s1, s30  }
0xc0: {  	s0 =	sor.u32 s3, s0;
	s1 =	sshll.u32 s1, $0x11  }
0xc1: {  	s0 =	sor.u32 s1, s0  }
0xc2: {  	s0 =	sadd.s32 $0x8F2B, s0  }
0xc3: {  	[sflag:s0] =	ssyncadd.remote.s32 $0x1  }
0xc4: {  	_ =	sfence.sel $0xFFFF  }
0xc5: {  	[dreg:$0x0] =	wrdreg $0xFFFFFFFF;
	(pc) =	sbr.abs _section_cstart, $3  }
0xc6: {  	[dreg:$0x1] =	wrdreg $0xFFFFFFFF  }
0xc7: {  	_ =	task.clear_ibuf [dreg:s8], $0x2FFFF;
	_ =	strace $0x9FFFFFFF  }
0xc8: {  	(tm) =	ssettm $0x7FFFFFFF  }
0xc9: {  	_ =	shalt  }
tec
execute0_lowered:
.L_overlay_start_1:
0x0: {  	(tag) =	ssettag $0x1  }
0x1: {  	s0 =	srdreg.scid;
	s1 =	stileid.u32  }
0x2: {  	s0 =	sand.u32 $0x1, s0;
	s1 =	sshll.u32 s1, $0x1  }
0x3: {  	s1 =	sor.u32 s0, s1  }
0x4: {  	s3 =	rddreg [dreg:$0x0];
	s1 =	smul.u32 $0x140, s1  }
0x5: {  	s4 =	rddreg [dreg:$0x1]  }
0x6: {  	s2 =	simm.s32 $0x0;
	s8 =	simm.s32 $0x1;
	s1 =	sshrl.u32 s1, $0x3  }
0x7: {  	s9 =	simm.s32 $0x2800;
	s10 =	simm.s32 $0x2;
	s3 =	sadd.s32 s3, s1  }
0x8: {  	s11 =	simm.s32 $0x0;
	[smem:$0x7FF] =	sst s2;
	s15 =	sadd.s32 $0x500, s3  }
0x9: {  	_ =	strace $0x8000004A;
	s16 =	sadd.s32 $0xA00, s3;
	[dreg:$0x3] =	wrdreg s15  }
0xa: {  	s0 =	ssub.s32 $0x2, s0;
	s17 =	sadd.s32 $0xF00, s3;
	[dreg:$0x4] =	wrdreg s16  }
0xb: {  	s5 =	sshrl.u32 s0, $0x1;
	s18 =	sadd.s32 $0x1400, s3;
	[dreg:$0x5] =	wrdreg s17  }
0xc: {  	s0 =	ssub.s32 s0, s5;
	s19 =	sadd.s32 $0x1900, s3;
	[dreg:$0x6] =	wrdreg s18  }
0xd: {  	s20 =	sadd.s32 $0x1E00, s3;
	s21 =	sadd.s32 $0x2300, s3;
	[dreg:$0x7] =	wrdreg s19  }
0xe: {  	s22 =	sadd.s32 $0x2800, s3;
	s23 =	sadd.s32 $0x2D00, s3;
	[dreg:$0x8] =	wrdreg s20  }
0xf: {  	s24 =	sadd.s32 $0x3200, s3;
	s25 =	sadd.s32 $0x3700, s3;
	[dreg:$0x9] =	wrdreg s21  }
0x10: {  	s26 =	sadd.s32 $0x3C00, s3;
	s28 =	sadd.s32 $0x6E00, s3;
	[dreg:$0xa] =	wrdreg s22  }
0x11: {  	s29 =	sadd.s32 $0x7300, s3;
	s30 =	sadd.s32 $0x7800, s3;
	[dreg:$0xb] =	wrdreg s23  }
0x12: {  	s31 =	sadd.s32 $0x7D00, s3;
	s5 =	sadd.s32 $0x9100, s3;
	[dreg:$0xc] =	wrdreg s24  }
0x13: {  	s6 =	sadd.s32 $0x9600, s3;
	s7 =	sadd.s32 $0x9B00, s3;
	[dreg:$0xd] =	wrdreg s25  }
0x14: {  	[dreg:$0xe] =	wrdreg s26;
	s16 =	sadd.s32 $0x4100, s3;
	s17 =	sadd.s32 $0x4600, s3  }
0x15: {  	s18 =	sadd.s32 $0x4B00, s3;
	s19 =	sadd.s32 $0x5000, s3;
	s20 =	sadd.s32 $0x5500, s3  }
0x16: {  	s21 =	sadd.s32 $0x5A00, s3;
	s22 =	sadd.s32 $0x5F00, s3;
	s23 =	sadd.s32 s4, s1  }
0x17: {  	s24 =	sadd.s32 $0x6400, s3;
	s25 =	smax.u32 s0, $0x1;
	s26 =	sadd.s32 $0x6900, s3  }
0x18: {  	s1 =	sadd.s32 $0x8200, s3;
	s0 =	sadd.s32 $0x8700, s3;
	s4 =	sadd.s32 $0x8C00, s3  }
.LBB2_1:
0x19: {  	[tilespmem:s2], [sflag:$0x1] =	stream.linear.gather [hbm4b:s3+s2], $0x140, $0x38;
	[tilespmem:$0x2980] =	vst v63  }
0x1a: {  	s12 =	rddreg [dreg:$0x3];
	s13 =	simm.s32 $0x140  }
0x1b: {  	[tilespmem:s13], [sflag:$0x1] =	stream.linear.gather [hbm4b:s12+s2], $0x140, $0x38;
	[tilespmem:$0x2980] =	vst v63  }
0x1c: {  	s14 =	rddreg [dreg:$0x4];
	s15 =	simm.s32 $0x280  }
0x1d: {  	[tilespmem:s15], [sflag:$0x1] =	stream.linear.gather [hbm4b:s14+s2], $0x140, $0x38;
	[tilespmem:$0x2980] =	vst v63  }
0x1e: {  	s14 =	rddreg [dreg:$0x5];
	s15 =	simm.s32 $0x3C0  }
0x1f: {  	[tilespmem:s15], [sflag:$0x1] =	stream.linear.gather [hbm4b:s14+s2], $0x140, $0x38;
	[tilespmem:$0x2980] =	vst v63  }
0x20: {  	s14 =	rddreg [dreg:$0x6];
	s15 =	simm.s32 $0x500  }
0x21: {  	[tilespmem:s15], [sflag:$0x1] =	stream.linear.gather [hbm4b:s14+s2], $0x140, $0x38;
	[tilespmem:$0x2980] =	vst v63  }
0x22: {  	s14 =	rddreg [dreg:$0x7];
	s15 =	simm.s32 $0x640  }
0x23: {  	[tilespmem:s15], [sflag:$0x1] =	stream.linear.gather [hbm4b:s14+s2], $0x140, $0x38;
	[tilespmem:$0x2980] =	vst v63  }
0x24: {  	s14 =	rddreg [dreg:$0x8];
	s15 =	simm.s32 $0x780  }
0x25: {  	[tilespmem:s15], [sflag:$0x1] =	stream.linear.gather [hbm4b:s14+s2], $0x140, $0x38;
	[tilespmem:$0x2980] =	vst v63  }
0x26: {  	s14 =	rddreg [dreg:$0x9];
	s15 =	simm.s32 $0x8C0  }
0x27: {  	[tilespmem:s15], [sflag:$0x1] =	stream.linear.gather [hbm4b:s14+s2], $0x140, $0x38;
	[tilespmem:$0x2980] =	vst v63  }
0x28: {  	s14 =	rddreg [dreg:$0xa];
	s15 =	simm.s32 $0xA00  }
0x29: {  	[tilespmem:s15], [sflag:$0x1] =	stream.linear.gather [hbm4b:s14+s2], $0x140, $0x38;
	[tilespmem:$0x2980] =	vst v63  }
0x2a: {  	s14 =	rddreg [dreg:$0xb];
	s15 =	simm.s32 $0xB40  }
0x2b: {  	[tilespmem:s15], [sflag:$0x1] =	stream.linear.gather [hbm4b:s14+s2], $0x140, $0x38;
	[tilespmem:$0x2980] =	vst v63  }
0x2c: {  	s14 =	rddreg [dreg:$0xc];
	s15 =	simm.s32 $0xC80  }
0x2d: {  	[tilespmem:s15], [sflag:$0x1] =	stream.linear.gather [hbm4b:s14+s2], $0x140, $0x38;
	[tilespmem:$0x2980] =	vst v63  }
0x2e: {  	s14 =	rddreg [dreg:$0xd];
	s15 =	simm.s32 $0xDC0  }
0x2f: {  	[tilespmem:s15], [sflag:$0x1] =	stream.linear.gather [hbm4b:s14+s2], $0x140, $0x38;
	[tilespmem:$0x2980] =	vst v63  }
0x30: {  	s14 =	rddreg [dreg:$0xe];
	s15 =	simm.s32 $0xF00  }
0x31: {  	[tilespmem:s15], [sflag:$0x1] =	stream.linear.gather [hbm4b:s14+s2], $0x140, $0x38;
	[tilespmem:$0x2980] =	vst v63  }
0x32: {  	s13 =	simm.s32 $0x1040  }
0x33: {  	[tilespmem:s13], [sflag:$0x1] =	stream.linear.gather [hbm4b:s16+s2], $0x140, $0x38;
	[tilespmem:$0x2980] =	vst v63  }
0x34: {  	s14 =	simm.s32 $0x1180  }
0x35: {  	[tilespmem:s14], [sflag:$0x1] =	stream.linear.gather [hbm4b:s17+s2], $0x140, $0x38;
	[tilespmem:$0x2980] =	vst v63  }
0x36: {  	s15 =	simm.s32 $0x12C0  }
0x37: {  	[tilespmem:s15], [sflag:$0x1] =	stream.linear.gather [hbm4b:s18+s2], $0x140, $0x38;
	[tilespmem:$0x2980] =	vst v63  }
0x38: {  	s13 =	simm.s32 $0x1400  }
0x39: {  	[tilespmem:s13], [sflag:$0x1] =	stream.linear.gather [hbm4b:s19+s2], $0x140, $0x38;
	[tilespmem:$0x2980] =	vst v63  }
0x3a: {  	s12 =	simm.s32 $0x1540  }
0x3b: {  	[tilespmem:s12], [sflag:$0x1] =	stream.linear.gather [hbm4b:s20+s2], $0x140, $0x38;
	[tilespmem:$0x2980] =	vst v63  }
0x3c: {  	s14 =	simm.s32 $0x1680  }
0x3d: {  	[tilespmem:s14], [sflag:$0x1] =	stream.linear.gather [hbm4b:s21+s2], $0x140, $0x38;
	[tilespmem:$0x2980] =	vst v63  }
0x3e: {  	s15 =	simm.s32 $0x17C0  }
0x3f: {  	[tilespmem:s15], [sflag:$0x1] =	stream.linear.gather [hbm4b:s22+s2], $0x140, $0x38;
	[tilespmem:$0x2980] =	vst v63  }
0x40: {  	s14 =	simm.s32 $0x1900  }
0x41: {  	[tilespmem:s14], [sflag:$0x1] =	stream.linear.gather [hbm4b:s24+s2], $0x140, $0x38;
	[tilespmem:$0x2980] =	vst v63  }
0x42: {  	s15 =	simm.s32 $0x1A40  }
0x43: {  	[tilespmem:s15], [sflag:$0x1] =	stream.linear.gather [hbm4b:s26+s2], $0x140, $0x38;
	[tilespmem:$0x2980] =	vst v63  }
0x44: {  	s14 =	simm.s32 $0x1B80  }
0x45: {  	[tilespmem:s14], [sflag:$0x1] =	stream.linear.gather [hbm4b:s28+s2], $0x140, $0x38;
	[tilespmem:$0x2980] =	vst v63  }
0x46: {  	s15 =	simm.s32 $0x1CC0  }
0x47: {  	[tilespmem:s15], [sflag:$0x1] =	stream.linear.gather [hbm4b:s29+s2], $0x140, $0x38;
	[tilespmem:$0x2980] =	vst v63  }
0x48: {  	s14 =	simm.s32 $0x1E00  }
0x49: {  	[tilespmem:s14], [sflag:$0x1] =	stream.linear.gather [hbm4b:s30+s2], $0x140, $0x38;
	[tilespmem:$0x2980] =	vst v63  }
0x4a: {  	s15 =	simm.s32 $0x1F40  }
0x4b: {  	[tilespmem:s15], [sflag:$0x1] =	stream.linear.gather [hbm4b:s31+s2], $0x140, $0x38;
	[tilespmem:$0x2980] =	vst v63  }
0x4c: {  	s14 =	simm.s32 $0x2080  }
0x4d: {  	[tilespmem:s14], [sflag:$0x1] =	stream.linear.gather [hbm4b:s1+s2], $0x140, $0x38;
	[tilespmem:$0x2980] =	vst v63  }
0x4e: {  	s15 =	simm.s32 $0x21C0  }
0x4f: {  	[tilespmem:s15], [sflag:$0x1] =	stream.linear.gather [hbm4b:s0+s2], $0x140, $0x38;
	[tilespmem:$0x2980] =	vst v63  }
0x50: {  	s14 =	simm.s32 $0x2300  }
0x51: {  	[tilespmem:s14], [sflag:$0x1] =	stream.linear.gather [hbm4b:s4+s2], $0x140, $0x38;
	[tilespmem:$0x2980] =	vst v63  }
0x52: {  	s15 =	simm.s32 $0x2440  }
0x53: {  	[tilespmem:s15], [sflag:$0x1] =	stream.linear.gather [hbm4b:s5+s2], $0x140, $0x38;
	[tilespmem:$0x2980] =	vst v63  }
0x54: {  	s14 =	simm.s32 $0x2580  }
0x55: {  	[tilespmem:s14], [sflag:$0x1] =	stream.linear.gather [hbm4b:s6+s2], $0x140, $0x38;
	[tilespmem:$0x2980] =	vst v63  }
0x56: {  	s15 =	simm.s32 $0x26C0  }
0x57: {  	[tilespmem:s15], [sflag:$0x1] =	stream.linear.gather [hbm4b:s7+s2], $0x140, $0x38;
	[tilespmem:$0x2980] =	vst v63  }
0x58: {  	_ =	swait.ge [sflag:s8], $0x140  }
0x59: {  	[sflag:s8] =	ssyncset.done $0x0  }
0x5a: {  	[sflag:s8] =	ssyncadd.s32 $0xFFFFFEC0  }
0x5b: {  	_ =	swait.ge [sflag:s8], $0x140  }
0x5c: {  	[sflag:s8] =	ssyncset.done $0x0  }
0x5d: {  	[sflag:s8] =	ssyncadd.s32 $0xFFFFFEC0  }
0x5e: {  	_ =	swait.ge [sflag:s8], $0x140  }
0x5f: {  	[sflag:s8] =	ssyncset.done $0x0  }
0x60: {  	[sflag:s8] =	ssyncadd.s32 $0xFFFFFEC0  }
0x61: {  	_ =	swait.ge [sflag:s8], $0x140  }
0x62: {  	[sflag:s8] =	ssyncset.done $0x0  }
0x63: {  	[sflag:s8] =	ssyncadd.s32 $0xFFFFFEC0  }
0x64: {  	_ =	swait.ge [sflag:s8], $0x140  }
0x65: {  	[sflag:s8] =	ssyncset.done $0x0  }
0x66: {  	[sflag:s8] =	ssyncadd.s32 $0xFFFFFEC0  }
0x67: {  	_ =	swait.ge [sflag:s8], $0x140  }
0x68: {  	[sflag:s8] =	ssyncset.done $0x0  }
0x69: {  	[sflag:s8] =	ssyncadd.s32 $0xFFFFFEC0  }
0x6a: {  	_ =	swait.ge [sflag:s8], $0x140  }
0x6b: {  	[sflag:s8] =	ssyncset.done $0x0  }
0x6c: {  	[sflag:s8] =	ssyncadd.s32 $0xFFFFFEC0  }
0x6d: {  	_ =	swait.ge [sflag:s8], $0x140  }
0x6e: {  	[sflag:s8] =	ssyncset.done $0x0  }
0x6f: {  	[sflag:s8] =	ssyncadd.s32 $0xFFFFFEC0  }
0x70: {  	_ =	swait.ge [sflag:s8], $0x140  }
0x71: {  	[sflag:s8] =	ssyncset.done $0x0  }
0x72: {  	[sflag:s8] =	ssyncadd.s32 $0xFFFFFEC0  }
0x73: {  	_ =	swait.ge [sflag:s8], $0x140  }
0x74: {  	[sflag:s8] =	ssyncset.done $0x0  }
0x75: {  	[sflag:s8] =	ssyncadd.s32 $0xFFFFFEC0  }
0x76: {  	_ =	swait.ge [sflag:s8], $0x140  }
0x77: {  	[sflag:s8] =	ssyncset.done $0x0  }
0x78: {  	[sflag:s8] =	ssyncadd.s32 $0xFFFFFEC0  }
0x79: {  	_ =	swait.ge [sflag:s8], $0x140  }
0x7a: {  	[sflag:s8] =	ssyncset.done $0x0  }
0x7b: {  	[sflag:s8] =	ssyncadd.s32 $0xFFFFFEC0  }
0x7c: {  	_ =	swait.ge [sflag:s8], $0x140  }
0x7d: {  	[sflag:s8] =	ssyncset.done $0x0  }
0x7e: {  	[sflag:s8] =	ssyncadd.s32 $0xFFFFFEC0  }
0x7f: {  	_ =	swait.ge [sflag:s8], $0x140  }
0x80: {  	[sflag:s8] =	ssyncset.done $0x0  }
0x81: {  	[sflag:s8] =	ssyncadd.s32 $0xFFFFFEC0  }
0x82: {  	_ =	swait.ge [sflag:s8], $0x140  }
0x83: {  	[sflag:s8] =	ssyncset.done $0x0  }
0x84: {  	[sflag:s8] =	ssyncadd.s32 $0xFFFFFEC0  }
0x85: {  	_ =	swait.ge [sflag:s8], $0x140  }
0x86: {  	[sflag:s8] =	ssyncset.done $0x0  }
0x87: {  	[sflag:s8] =	ssyncadd.s32 $0xFFFFFEC0  }
0x88: {  	_ =	swait.ge [sflag:s8], $0x140  }
0x89: {  	[sflag:s8] =	ssyncset.done $0x0  }
0x8a: {  	[sflag:s8] =	ssyncadd.s32 $0xFFFFFEC0  }
0x8b: {  	_ =	swait.ge [sflag:s8], $0x140  }
0x8c: {  	[sflag:s8] =	ssyncset.done $0x0  }
0x8d: {  	[sflag:s8] =	ssyncadd.s32 $0xFFFFFEC0  }
0x8e: {  	_ =	swait.ge [sflag:s8], $0x140  }
0x8f: {  	[sflag:s8] =	ssyncset.done $0x0  }
0x90: {  	[sflag:s8] =	ssyncadd.s32 $0xFFFFFEC0  }
0x91: {  	_ =	swait.ge [sflag:s8], $0x140  }
0x92: {  	[sflag:s8] =	ssyncset.done $0x0  }
0x93: {  	[sflag:s8] =	ssyncadd.s32 $0xFFFFFEC0  }
0x94: {  	_ =	swait.ge [sflag:s8], $0x140  }
0x95: {  	[sflag:s8] =	ssyncset.done $0x0  }
0x96: {  	[sflag:s8] =	ssyncadd.s32 $0xFFFFFEC0  }
0x97: {  	_ =	swait.ge [sflag:s8], $0x140  }
0x98: {  	[sflag:s8] =	ssyncset.done $0x0  }
0x99: {  	[sflag:s8] =	ssyncadd.s32 $0xFFFFFEC0  }
0x9a: {  	_ =	swait.ge [sflag:s8], $0x140  }
0x9b: {  	[sflag:s8] =	ssyncset.done $0x0  }
0x9c: {  	[sflag:s8] =	ssyncadd.s32 $0xFFFFFEC0  }
0x9d: {  	_ =	swait.ge [sflag:s8], $0x140  }
0x9e: {  	[sflag:s8] =	ssyncset.done $0x0  }
0x9f: {  	[sflag:s8] =	ssyncadd.s32 $0xFFFFFEC0  }
0xa0: {  	_ =	swait.ge [sflag:s8], $0x140  }
0xa1: {  	[sflag:s8] =	ssyncset.done $0x0  }
0xa2: {  	[sflag:s8] =	ssyncadd.s32 $0xFFFFFEC0  }
0xa3: {  	_ =	swait.ge [sflag:s8], $0x140  }
0xa4: {  	[sflag:s8] =	ssyncset.done $0x0  }
0xa5: {  	[sflag:s8] =	ssyncadd.s32 $0xFFFFFEC0  }
0xa6: {  	_ =	swait.ge [sflag:s8], $0x140  }
0xa7: {  	[sflag:s8] =	ssyncset.done $0x0  }
0xa8: {  	[sflag:s8] =	ssyncadd.s32 $0xFFFFFEC0  }
0xa9: {  	_ =	swait.ge [sflag:s8], $0x140  }
0xaa: {  	[sflag:s8] =	ssyncset.done $0x0  }
0xab: {  	[sflag:s8] =	ssyncadd.s32 $0xFFFFFEC0  }
0xac: {  	_ =	swait.ge [sflag:s8], $0x140  }
0xad: {  	[sflag:s8] =	ssyncset.done $0x0  }
0xae: {  	[sflag:s8] =	ssyncadd.s32 $0xFFFFFEC0  }
0xaf: {  	_ =	swait.ge [sflag:s8], $0x140  }
0xb0: {  	[sflag:s8] =	ssyncset.done $0x0  }
0xb1: {  	[sflag:s8] =	ssyncadd.s32 $0xFFFFFEC0  }
0xb2: {  	_ =	swait.ge [sflag:s8], $0x140  }
0xb3: {  	[sflag:s8] =	ssyncset.done $0x0  }
0xb4: {  	[sflag:s8] =	ssyncadd.s32 $0xFFFFFEC0  }
0xb5: {  	_ =	swait.ge [sflag:s8], $0x140  }
0xb6: {  	[sflag:s8] =	ssyncset.done $0x0  }
0xb7: {  	[sflag:s8] =	ssyncadd.s32 $0xFFFFFEC0  }
0xb8: {  	v0 =	vld [tilespmem:s12+$0xFFFFEC00]  }
0xb9: {  	s14 =	sand.u32 $0x1F0, s2;
	v1 =	vld [tilespmem:s12+$0xFFFFEAC0]  }
0xba: {  	v2 =	vld [tilespmem:s14+$0x280]  }
0xbb: {  	v3 =	vld [tilespmem:s12+$0xFFFFEE80]  }
0xbc: {  	v4 =	vld [tilespmem:s14+$0x500]  }
0xbd: {  	v5 =	vld [tilespmem:s12+$0xFFFFF100]  }
0xbe: {  	v0 =	vmax.f32 v1, v0;
	v1 =	vld [tilespmem:s14+$0x780]  }
0xbf: {  	v0 =	vmax.f32 v0, v2;
	v2 =	vld [tilespmem:s12+$0xFFFFF380]  }
0xc0: {  	v0 =	vmax.f32 v0, v3;
	v3 =	vld [tilespmem:s14+$0xA00]  }
0xc1: {  	v54 =	vld [tilespmem:s12+$0xFFFFF600];
	v0 =	vmax.f32 v0, v4  }
0xc2: {  	v55 =	vld [tilespmem:s14+$0xC80];
	v0 =	vmax.f32 v0, v5  }
0xc3: {  	v0 =	vmax.f32 v0, v1;
	v1 =	vld [tilespmem:s12+$0xFFFFF880]  }
0xc4: {  	v0 =	vmax.f32 v0, v2;
	v2 =	vld [tilespmem:s14+$0xF00]  }
0xc5: {  	v0 =	vmax.f32 v0, v3;
	v3 =	vld [tilespmem:s12+$0xFFFFFB00]  }
0xc6: {  	v56 =	vld [tilespmem:s14+$0x1180];
	v0 =	vmax.f32 v0, v54  }
0xc7: {  	v57 =	vld [tilespmem:s12+$0xFFFFFD80];
	v0 =	vmax.f32 v0, v55  }
0xc8: {  	v0 =	vmax.f32 v0, v1;
	v1 =	vld [tilespmem:s14+$0x1400]  }
0xc9: {  	v0 =	vmax.f32 v0, v2;
	v2 =	vld [tilespmem:s12+$0x0]  }
0xca: {  	v0 =	vmax.f32 v0, v3;
	v3 =	vld [tilespmem:s14+$0x1680]  }
0xcb: {  	v58 =	vld [tilespmem:s12+$0x280];
	v0 =	vmax.f32 v0, v56  }
0xcc: {  	v59 =	vld [tilespmem:s14+$0x1900];
	v0 =	vmax.f32 v0, v57  }
0xcd: {  	v0 =	vmax.f32 v0, v1;
	v1 =	vld [tilespmem:s12+$0x500]  }
0xce: {  	v0 =	vmax.f32 v0, v2;
	v2 =	vld [tilespmem:s14+$0x1B80]  }
0xcf: {  	v0 =	vmax.f32 v0, v3;
	v3 =	vld [tilespmem:s12+$0x780]  }
0xd0: {  	v60 =	vld [tilespmem:s14+$0x1E00];
	v0 =	vmax.f32 v0, v58  }
0xd1: {  	v61 =	vld [tilespmem:s12+$0xA00];
	v0 =	vmax.f32 v0, v59  }
0xd2: {  	v0 =	vmax.f32 v0, v1;
	v1 =	vld [tilespmem:s14+$0x2080]  }
0xd3: {  	v0 =	vmax.f32 v0, v2;
	v2 =	vld [tilespmem:s12+$0xC80]  }
0xd4: {  	v0 =	vmax.f32 v0, v3;
	v3 =	vld [tilespmem:s14+$0x2300]  }
0xd5: {  	v62 =	vld [tilespmem:s12+$0xF00];
	v0 =	vmax.f32 v0, v60  }
0xd6: {  	v63 =	vld [tilespmem:s14+$0x2580];
	v0 =	vmax.f32 v0, v61  }
0xd7: {  	v0 =	vmax.f32 v0, v1;
	v1 =	vld [tilespmem:s12+$0x1180]  }
0xd8: {  	v0 =	vmax.f32 v0, v2  }
0xd9: {  	v0 =	vmax.f32 v0, v3  }
0xda: {  	v0 =	vmax.f32 v0, v62  }
0xdb: {  	v0 =	vmax.f32 v0, v63  }
0xdc: {  	v0 =	vmax.f32 v0, v1  }
0xdd: {  	s12 =	simm.s32 $0x1550;
	[tilespmem:s9+$0x0] =	vst v0  }
0xde: {  	s15 =	simm.s32 $0x10;
	v0 =	vld [tilespmem:s12+$0xFFFFEC00]  }
0xdf: {  	s13 =	simm.s32 $0x2800;
	s14 =	sand.u32 $0x1F0, s15;
	s15 =	simm.s32 $0x20;
	v1 =	vld [tilespmem:s12+$0xFFFFEAC0]  }
.LBB2_2:
0xe0: {  	p0 =	sne.s32 s15, $0x130;
	v2 =	vld [tilespmem:s14+$0x280]  }
0xe1: {  	v3 =	vld [tilespmem:s12+$0xFFFFEE80]  }
0xe2: {  	v4 =	vld [tilespmem:s14+$0x500]  }
0xe3: {  	v5 =	vld [tilespmem:s12+$0xFFFFF100]  }
0xe4: {  	v0 =	vmax.f32 v1, v0;
	v1 =	vld [tilespmem:s14+$0x780]  }
0xe5: {  	v0 =	vmax.f32 v0, v2;
	v2 =	vld [tilespmem:s12+$0xFFFFF380]  }
0xe6: {  	v0 =	vmax.f32 v0, v3;
	v3 =	vld [tilespmem:s14+$0xA00]  }
0xe7: {  	v0 =	vmax.f32 v0, v4;
	v4 =	vld [tilespmem:s12+$0xFFFFF600]  }
0xe8: {  	v0 =	vmax.f32 v0, v5;
	v5 =	vld [tilespmem:s14+$0xC80]  }
0xe9: {  	v0 =	vmax.f32 v0, v1;
	v1 =	vld [tilespmem:s12+$0xFFFFF880]  }
0xea: {  	v0 =	vmax.f32 v0, v2;
	v2 =	vld [tilespmem:s14+$0xF00]  }
0xeb: {  	v0 =	vmax.f32 v0, v3;
	v3 =	vld [tilespmem:s12+$0xFFFFFB00]  }
0xec: {  	v0 =	vmax.f32 v0, v4;
	v4 =	vld [tilespmem:s14+$0x1180]  }
0xed: {  	v0 =	vmax.f32 v0, v5;
	v5 =	vld [tilespmem:s12+$0xFFFFFD80]  }
0xee: {  	v0 =	vmax.f32 v0, v1;
	v1 =	vld [tilespmem:s14+$0x1400]  }
0xef: {  	v0 =	vmax.f32 v0, v2;
	v2 =	vld [tilespmem:s12+$0x0]  }
0xf0: {  	v0 =	vmax.f32 v0, v3;
	v3 =	vld [tilespmem:s14+$0x1680]  }
0xf1: {  	v0 =	vmax.f32 v0, v4;
	v4 =	vld [tilespmem:s12+$0x280]  }
0xf2: {  	v0 =	vmax.f32 v0, v5;
	v5 =	vld [tilespmem:s14+$0x1900]  }
0xf3: {  	v0 =	vmax.f32 v0, v1;
	v1 =	vld [tilespmem:s12+$0x500]  }
0xf4: {  	v0 =	vmax.f32 v0, v2;
	v2 =	vld [tilespmem:s14+$0x1B80]  }
0xf5: {  	v0 =	vmax.f32 v0, v3;
	v3 =	vld [tilespmem:s12+$0x780]  }
0xf6: {  	v0 =	vmax.f32 v0, v4;
	v4 =	vld [tilespmem:s14+$0x1E00]  }
0xf7: {  	v0 =	vmax.f32 v0, v5;
	v5 =	vld [tilespmem:s12+$0xA00]  }
0xf8: {  	v0 =	vmax.f32 v0, v1;
	v1 =	vld [tilespmem:s14+$0x2080]  }
0xf9: {  	v0 =	vmax.f32 v0, v2;
	v2 =	vld [tilespmem:s12+$0xC80]  }
0xfa: {  	v0 =	vmax.f32 v0, v3;
	v3 =	vld [tilespmem:s14+$0x2300]  }
0xfb: {  	v0 =	vmax.f32 v0, v4;
	v4 =	vld [tilespmem:s12+$0xF00]  }
0xfc: {  	v0 =	vmax.f32 v0, v5;
	v5 =	vld [tilespmem:s14+$0x2580]  }
0xfd: {  	v0 =	vmax.f32 v0, v1;
	v1 =	vld [tilespmem:s12+$0x1180]  }
0xfe: {  	v0 =	vmax.f32 v0, v2  }
0xff: {  	v0 =	vmax.f32 v0, v3  }
0x100: {  	v0 =	vmax.f32 v0, v4  }
.Ltmp0:
0x101: {  	v0 =	vmax.f32 v0, v5;
	(pc) =	sbr.rel @p0 .LBB2_2-.Ltmp0, $4  }
0x102: {  	s13 =	sadd.s32 $0x10, s13;
	v0 =	vmax.f32 v0, v1  }
0x103: {  	s12 =	sadd.s32 $0x10, s12;
	[tilespmem:s13+$0x0] =	vst v0  }
0x104: {  	v0 =	vld [tilespmem:s12+$0xFFFFEC00]  }
0x105: {  	s14 =	sand.u32 $0x1F0, s15;
	s15 =	sadd.s32 $0x10, s15;
	v1 =	vld [tilespmem:s12+$0xFFFFEAC0]  }
0x106: {  	v2 =	vld [tilespmem:s14+$0x280]  }
0x107: {  	v3 =	vld [tilespmem:s12+$0xFFFFEE80]  }
0x108: {  	v4 =	vld [tilespmem:s14+$0x500]  }
0x109: {  	v5 =	vld [tilespmem:s12+$0xFFFFF100]  }
0x10a: {  	v38 =	vld [tilespmem:s14+$0x780];
	v0 =	vmax.f32 v1, v0  }
0x10b: {  	v39 =	vld [tilespmem:s12+$0xFFFFF380];
	v0 =	vmax.f32 v0, v2  }
0x10c: {  	v40 =	vld [tilespmem:s14+$0xA00];
	v0 =	vmax.f32 v0, v3  }
0x10d: {  	v41 =	vld [tilespmem:s12+$0xFFFFF600];
	v0 =	vmax.f32 v0, v4  }
0x10e: {  	v42 =	vld [tilespmem:s14+$0xC80];
	v0 =	vmax.f32 v0, v5  }
0x10f: {  	v43 =	vld [tilespmem:s12+$0xFFFFF880];
	v0 =	vmax.f32 v0, v38  }
0x110: {  	v44 =	vld [tilespmem:s14+$0xF00];
	v0 =	vmax.f32 v0, v39  }
0x111: {  	v45 =	vld [tilespmem:s12+$0xFFFFFB00];
	v0 =	vmax.f32 v0, v40  }
0x112: {  	v46 =	vld [tilespmem:s14+$0x1180];
	v0 =	vmax.f32 v0, v41  }
0x113: {  	v47 =	vld [tilespmem:s12+$0xFFFFFD80];
	v0 =	vmax.f32 v0, v42  }
0x114: {  	v48 =	vld [tilespmem:s14+$0x1400];
	v0 =	vmax.f32 v0, v43  }
0x115: {  	v49 =	vld [tilespmem:s12+$0x0];
	v0 =	vmax.f32 v0, v44  }
0x116: {  	v50 =	vld [tilespmem:s14+$0x1680];
	v0 =	vmax.f32 v0, v45  }
0x117: {  	v51 =	vld [tilespmem:s12+$0x280];
	v0 =	vmax.f32 v0, v46  }
0x118: {  	v52 =	vld [tilespmem:s14+$0x1900];
	v0 =	vmax.f32 v0, v47  }
0x119: {  	v53 =	vld [tilespmem:s12+$0x500];
	v0 =	vmax.f32 v0, v48  }
0x11a: {  	v54 =	vld [tilespmem:s14+$0x1B80];
	v0 =	vmax.f32 v0, v49  }
0x11b: {  	v55 =	vld [tilespmem:s12+$0x780];
	v0 =	vmax.f32 v0, v50  }
0x11c: {  	v56 =	vld [tilespmem:s14+$0x1E00];
	v0 =	vmax.f32 v0, v51  }
0x11d: {  	v57 =	vld [tilespmem:s12+$0xA00];
	v0 =	vmax.f32 v0, v52  }
0x11e: {  	v58 =	vld [tilespmem:s14+$0x2080];
	v0 =	vmax.f32 v0, v53  }
0x11f: {  	v59 =	vld [tilespmem:s12+$0xC80];
	v0 =	vmax.f32 v0, v54  }
0x120: {  	v60 =	vld [tilespmem:s14+$0x2300];
	v0 =	vmax.f32 v0, v55  }
0x121: {  	v61 =	vld [tilespmem:s12+$0xF00];
	v0 =	vmax.f32 v0, v56  }
0x122: {  	v62 =	vld [tilespmem:s14+$0x2580];
	v0 =	vmax.f32 v0, v57  }
0x123: {  	v63 =	vld [tilespmem:s12+$0x1180];
	v0 =	vmax.f32 v0, v58  }
0x124: {  	v0 =	vmax.f32 v0, v59  }
0x125: {  	v0 =	vmax.f32 v0, v60  }
0x126: {  	v0 =	vmax.f32 v0, v61  }
0x127: {  	s11 =	sadd.s32 $0x1, s11;
	v0 =	vmax.f32 v0, v62  }
0x128: {  	s15 =	sadd.s32 $0x10, s13;
	p0 =	sne.s32 s11, s25;
	v0 =	vmax.f32 v0, v63  }
.Ltmp1:
0x129: {  	[tilespmem:s15+$0x0] =	vst v0;
	(pc) =	sbr.rel @p0 .LBB2_1-.Ltmp1, $4  }
0x12a: {  	[hbm4b:s23+s2] =	stream.linear.scatter [tilespmem:s9], [sflag:$0x2], $0x140, $0x38;
	[tilespmem:$0x2980] =	vst v63  }
0x12b: {  	_ =	swait.ge [sflag:s10], $0x140  }
0x12c: {  	[sflag:s10] =	ssyncset.done $0x0  }
0x12d: {  	[sflag:s10] =	ssyncadd.s32 $0xFFFFFEC0  }
0x12e: {  	_ =	sfence.sel $0x180000  }
0x12f: {  	[bflag:$0x0] =	sbarrier.arrive $0xFFFF  }
0x130: {  	_ =	strace $0x9000004A  }
0x131: {  	s0 =	stileid.u32;
	[bflag:$0x2] =	sbarrier.arrive $0xFFFF  }
0x132: {  	p0 =	sne.s32 s0, $0x0;
	s0 =	rddreg [dreg:$0x2]  }
0x133: {  	s0 =	sadd.s32 @!p0 $0x100000, s0  }
0x134: {  	[sflag:s0] =	ssyncadd.tile.s32 @!p0 $0x1;
	_ =	shalt  }
.Lfunc_end2:
_tile_overlayer_lowered:
.L_overlay_start_2:
0x135: {  	(tag) =	ssettag $0x2  }
0x136: {  	s0 =	rddreg [dreg:$0x0];
	s2 =	stileid.u32  }
0x137: {  	s1 =	rddreg [dreg:$0x1];
	p0 =	sne.s32 s2, $0x0  }
0x138: {  	s3 =	rddreg [dreg:$0x2];
	[bflag:$0x3] =	sbarrier.arrive $0xFFFF;
	s2 =	simm.s32 @!p0 $0x1C02  }
0x139: {  	[timem:s3], [sflag:s2] =	dma.local @!p0 [hbm:s0], s1  }
0x13a: {  	s0 =	simm.s32 @!p0 $0x2  }
0x13b: {  	_ =	swait.ge @!p0 [sflag:s0], s1  }
0x13c: {  	s1 =	ssub.s32 @!p0 $0x0, s1;
	[sflag:s0] =	ssyncset.done @!p0 $0x0  }
0x13d: {  	[sflag:s0] =	ssyncadd.s32 @!p0 s1  }
0x13e: {  	[bflag:$0x3] =	sbarrier.arrive $0xFFFF  }
0x13f: {  	_ =	shalt  }

</sc_bundles>
